<compile_context>
chip_gen: v7x
topology: tpu7x:2x2x1
jax: 0.10.2.dev20260603
libtpu: 0.0.44.dev20260713+nightly
codegen_flags: <defaults>
</compile_context>

<pallas_src>
import functools

import jax
import jax.numpy as jnp
from jax import lax
from jax.experimental import pallas as pl
from jax.experimental.pallas import tpu as pltpu
from jax.experimental.pallas import tpu_sc as plsc

N_ENT = 100000
DIM = 64
N_EDGES = 1600000
BATCH = 16384

NC, NS = 2, 16
NW = NC * NS
NB = 25088
NPASS = 2
NPAD = NC * NPASS * NB
CH = 128
EPT = 100096
EPAD = NS * EPT
ROWS_PER_TILE = NB // NS
ZR = 112

_mesh = plsc.VectorSubcoreMesh(core_axis_name="c", subcore_axis_name="s")


@functools.partial(
    pl.kernel,
    mesh=_mesh,
    out_type=[
        jax.ShapeDtypeStruct((NPAD, DIM), jnp.float32),
        jax.ShapeDtypeStruct((NPAD,), jnp.float32),
    ],
    scratch_types=[
        pltpu.VMEM((CH,), jnp.int32),
        pltpu.VMEM((CH,), jnp.int32),
        pltpu.VMEM((CH,), jnp.int32),
        pltpu.VMEM((CH, DIM), jnp.float32),
        pltpu.VMEM((CH,), jnp.int32),
        pltpu.VMEM((CH,), jnp.int32),
        pltpu.VMEM((CH,), jnp.int32),
        pltpu.VMEM((CH, DIM), jnp.float32),
        pltpu.VMEM((CH,), jnp.float32),
        pltpu.VMEM((ZR, DIM), jnp.float32),
        pltpu.VMEM((ZR,), jnp.float32),
        pltpu.VMEM_SHARED((NB + 8, DIM), jnp.float32),
        pltpu.VMEM_SHARED((NB + 8,), jnp.float32),
        pltpu.SemaphoreType.DMA,
        pltpu.SemaphoreType.DMA,
    ],
    compiler_params=pltpu.CompilerParams(use_tc_tiling_on_sc=False),
)
def _sc_scatter(table_hbm, src_hbm, dst_hbm, agg_hbm, deg_hbm,
                src_a, dst_a, lidx_a, rows_a, src_b, dst_b, lidx_b, rows_b,
                ones_v, zrow_v, zdeg_v, agg_s, deg_s, sem_a, sem_b):
    c = lax.axis_index("c")
    s = lax.axis_index("s")
    z16 = jnp.zeros((16,), jnp.float32)
    o16 = jnp.ones((16,), jnp.float32)

    for i in range(CH // 16):
        ones_v[pl.ds(i * 16, 16)] = o16
    for i in range(ZR // 16):
        zdeg_v[pl.ds(i * 16, 16)] = z16

    def zrow_body(i, carry):
        for k in range(DIM // 16):
            zrow_v[i, pl.ds(k * 16, 16)] = z16
        return carry

    lax.fori_loop(0, ZR, zrow_body, 0)

    for p in range(NPASS):
        base = (c * NPASS + p) * NB
        tile_row0 = s * ROWS_PER_TILE

        def clear_body(j, carry):
            pltpu.sync_copy(zrow_v, agg_s.at[pl.ds(tile_row0 + j * ZR, ZR)])
            pltpu.sync_copy(zdeg_v, deg_s.at[pl.ds(tile_row0 + j * ZR, ZR)])
            return carry

        lax.fori_loop(0, ROWS_PER_TILE // ZR, clear_body, 0)
        plsc.subcore_barrier()

        nch = EPT // CH

        def load_idx(t, src_r, dst_r, lidx_r):
            off = s * EPT + t * CH
            pltpu.sync_copy(src_hbm.at[pl.ds(off, CH)], src_r)
            pltpu.sync_copy(dst_hbm.at[pl.ds(off, CH)], dst_r)

            def lidx_body(i, carry2):
                v = dst_r[pl.ds(i * 16, 16)]
                inr = (v >= base) & (v < base + NB)
                lidx_r[pl.ds(i * 16, 16)] = jnp.where(inr, v - base,
                                                      jnp.int32(NB))
                return carry2

            lax.fori_loop(0, CH // 16, lidx_body, 0)

        def wait_gather(rows_r, sem_r):
            pltpu.make_async_copy(table_hbm.at[pl.ds(0, CH)], rows_r,
                                  sem_r).wait()

        load_idx(0, src_a, dst_a, lidx_a)
        pltpu.async_copy(table_hbm.at[src_a], rows_a, sem_a)

        def edge_body(u, carry):
            c0 = 2 * u
            load_idx(c0 + 1, src_b, dst_b, lidx_b)
            pltpu.async_copy(table_hbm.at[src_b], rows_b, sem_b)
            wait_gather(rows_a, sem_a)
            pltpu.sync_copy(rows_a, agg_s.at[lidx_a], add=True)
            pltpu.sync_copy(ones_v, deg_s.at[lidx_a], add=True)
            load_idx(jnp.minimum(c0 + 2, nch - 1), src_a, dst_a, lidx_a)
            pltpu.async_copy(table_hbm.at[src_a], rows_a, sem_a)
            wait_gather(rows_b, sem_b)
            pltpu.sync_copy(rows_b, agg_s.at[lidx_b], add=True)
            pltpu.sync_copy(ones_v, deg_s.at[lidx_b], add=True)
            return carry

        lax.fori_loop(0, nch // 2, edge_body, 0)
        wait_gather(rows_a, sem_a)
        plsc.subcore_barrier()

        pltpu.sync_copy(agg_s.at[pl.ds(tile_row0, ROWS_PER_TILE)],
                        agg_hbm.at[pl.ds(base + tile_row0, ROWS_PER_TILE)])
        pltpu.sync_copy(deg_s.at[pl.ds(tile_row0, ROWS_PER_TILE)],
                        deg_hbm.at[pl.ds(base + tile_row0, ROWS_PER_TILE)])
        plsc.subcore_barrier()


_QB = 3 * BATCH
_QPT = _QB // NW


@functools.partial(
    pl.kernel,
    mesh=_mesh,
    out_type=jax.ShapeDtypeStruct((_QB, DIM), jnp.float32),
    scratch_types=[
        pltpu.VMEM((CH,), jnp.int32),
        pltpu.VMEM((CH, DIM), jnp.float32),
        pltpu.SemaphoreType.DMA,
    ],
    compiler_params=pltpu.CompilerParams(use_tc_tiling_on_sc=False),
)
def _sc_gather(emb_hbm, q_hbm, out_hbm, idx_v, rows_v, sem):
    c = lax.axis_index("c")
    s = lax.axis_index("s")
    wid = s * NC + c
    base = wid * _QPT

    def body(t, carry):
        off = base + t * CH
        pltpu.sync_copy(q_hbm.at[pl.ds(off, CH)], idx_v)
        pltpu.async_copy(emb_hbm.at[idx_v], rows_v, sem).wait()
        pltpu.sync_copy(rows_v, out_hbm.at[pl.ds(off, CH)])
        return carry

    lax.fori_loop(0, _QPT // CH, body, 0)


def _gcn_body(tab_ref, agg_ref, deg_ref, w_ref, out_ref):
    deg = jnp.maximum(deg_ref[...], 1.0)
    x = tab_ref[...] + agg_ref[...] / deg
    out_ref[...] = jnp.tanh(
        jnp.dot(x, w_ref[...], preferred_element_type=jnp.float32))


_GBLK = 1024


def _gcn_dense(tab, agg, deg, W):
    grid = (NPAD // _GBLK,)
    return pl.pallas_call(
        _gcn_body,
        grid=grid,
        in_specs=[
            pl.BlockSpec((_GBLK, DIM), lambda i: (i, 0)),
            pl.BlockSpec((_GBLK, DIM), lambda i: (i, 0)),
            pl.BlockSpec((_GBLK, 1), lambda i: (i, 0)),
            pl.BlockSpec((DIM, DIM), lambda i: (0, 0)),
        ],
        out_specs=pl.BlockSpec((_GBLK, DIM), lambda i: (i, 0)),
        out_shape=jax.ShapeDtypeStruct((NPAD, DIM), jnp.float32),
    )(tab, agg, deg, W)


def _score_body(he_ref, tpe_ref, tne_ref, out_ref):
    h = he_ref[...]
    up = jnp.sum((h - tpe_ref[...]) ** 2, axis=1, keepdims=True)
    un = jnp.sum((h - tne_ref[...]) ** 2, axis=1, keepdims=True)
    d = un - up
    out_ref[...] = jnp.maximum(d, 0.0) + jnp.log1p(jnp.exp(-jnp.abs(d)))


_SBLK = 2048


def _score(h_e, tp_e, tn_e):
    grid = (BATCH // _SBLK,)
    return pl.pallas_call(
        _score_body,
        grid=grid,
        in_specs=[
            pl.BlockSpec((_SBLK, DIM), lambda i: (i, 0)),
            pl.BlockSpec((_SBLK, DIM), lambda i: (i, 0)),
            pl.BlockSpec((_SBLK, DIM), lambda i: (i, 0)),
        ],
        out_specs=pl.BlockSpec((_SBLK, 1), lambda i: (i, 0)),
        out_shape=jax.ShapeDtypeStruct((BATCH, 1), jnp.float32),
    )(h_e, tp_e, tn_e)


@jax.jit
def kernel(h, r, tp, tn, table, W, edge_index):
    src = edge_index[0].astype(jnp.int32)
    dst = edge_index[1].astype(jnp.int32)
    pad = EPAD - N_EDGES
    src_p = jnp.concatenate([src, jnp.zeros((pad,), jnp.int32)])
    dst_p = jnp.concatenate([dst, jnp.full((pad,), NPAD, jnp.int32)])

    agg, deg = _sc_scatter(table, src_p, dst_p)

    tab_p = jnp.concatenate(
        [table, jnp.zeros((NPAD - N_ENT, DIM), table.dtype)], axis=0)
    emb = _gcn_dense(tab_p, agg, deg.reshape(NPAD, 1), W)

    q = jnp.concatenate([h, tp, tn]).astype(jnp.int32)
    rows = _sc_gather(emb, q)
    h_e = rows[:BATCH]
    tp_e = rows[BATCH:2 * BATCH]
    tn_e = rows[2 * BATCH:]
    return _score(h_e, tp_e, tn_e)[:, 0]

# --- scband reference (transcript-rebuilt; emitter-appended) ---
"""Pipeline reference for scband-gcnemb-63857573757112 (READ-ONLY COPY).

The authoritative reference and input builder live on the scoring server;
editing this copy changes nothing except your own understanding.
"""

import jax, jax.numpy as jnp
import numpy as np

N_ENTITY = 100000
DIM = 64
N_EDGES = 1600000
BATCH = 16384
N_REL = 200


def setup_inputs(seed: int = 0) -> dict:
    key = jax.random.key(seed)
    k1, k2, k3, k4, k5, k6, k7 = jax.random.split(key, 7)
    h = jax.random.randint(k1, (BATCH,), 0, N_ENTITY, dtype=jnp.int64 if jax.config.jax_enable_x64 else jnp.int32)
    r = jax.random.randint(k2, (BATCH,), 0, N_REL, dtype=h.dtype)
    tp = jax.random.randint(k3, (BATCH,), 0, N_ENTITY, dtype=h.dtype)
    tn = jax.random.randint(k4, (BATCH,), 0, N_ENTITY, dtype=h.dtype)
    # learned entity embedding table (GCNBase base embeddings)
    table = jax.random.normal(k5, (N_ENTITY, DIM), dtype=jnp.float32) * 0.02
    # GCN layer weight
    W = jax.random.normal(k6, (DIM, DIM), dtype=jnp.float32) * (1.0 / np.sqrt(DIM))
    # KG graph structure (src/dst entity ids)
    edge_index = jax.random.randint(k7, (2, N_EDGES), 0, N_ENTITY, dtype=h.dtype)
    return {"h": h, "r": r, "tp": tp, "tn": tn, "table": table, "W": W, "edge_index": edge_index}


def _compute_graph(table, W, edge_index):
    # GCNBase stand-in: one mean-aggregation GCN layer over the KG edge list.
    n = table.shape[0]
    src = edge_index[0]
    dst = edge_index[1]
    msgs = jnp.take(table, src, axis=0)                      # gather  [E, d]
    agg = jax.ops.segment_sum(msgs, dst, num_segments=n)     # scatter-add [N, d]
    deg = jax.ops.segment_sum(jnp.ones((src.shape[0],), dtype=table.dtype), dst, num_segments=n)
    deg = jnp.clip(deg, 1.0, None)
    emb = jnp.tanh((table + agg / deg[:, None]) @ W)
    # dropout p=0.0 -> identity
    return emb


def reference(h, r, tp, tn, table, W, edge_index):
    entity_embeddings = _compute_graph(table, W, edge_index)
    h_e = jnp.take(entity_embeddings, h, axis=0)
    tp_e = jnp.take(entity_embeddings, tp, axis=0)
    tn_e = jnp.take(entity_embeddings, tn, axis=0)
    up_score = jnp.sum((h_e - tp_e) ** 2, axis=1)
    un_score = jnp.sum((h_e - tn_e) ** 2, axis=1)
    return jax.nn.softplus(un_score - up_score)

if __name__ == "__main__":
    import jax
    _d = setup_inputs()
    print(jax.jit(kernel)(*tuple(_d.values())))

</pallas_src>

<mosaic_0001>
#map = affine_map<(d0, d1) -> (0, 0)>
#map1 = affine_map<(d0, d1) -> (0)>
module attributes {stable_mosaic.version = 14 : i64} {
  func.func @_sc_gather(%arg0: i32, %arg1: i32, %arg2: memref<100352x64xf32, #tpu.memory_space<hbm>>, %arg3: memref<49152xi32, #tpu.memory_space<hbm>>, %arg4: memref<49152x64xf32, #tpu.memory_space<hbm>>, %arg5: memref<128xi32, #tpu.memory_space<vmem>>, %arg6: memref<128x64xf32, #tpu.memory_space<vmem>>, %arg7: memref<!tpu.dma_semaphore, #tpu.memory_space<semaphore_mem>>) attributes {dimension_semantics = [#tpu.dimension_semantics<core_parallel>, #tpu.dimension_semantics<subcore_parallel>], iteration_bounds = array<i64: 2, 16>, scalar_prefetch = 0 : i64, scratch_operands = 3 : i64, tpu.core_type = #tpu.core_type<sc_vector_subcore>, window_params = [{transform_indices = #map}, {transform_indices = #map1}, {transform_indices = #map}]} {
    %mul3A = arith.constant 2 : i32
    %mul3A_0 = arith.muli %arg1, %mul3A : i32
    %add3A = arith.addi %mul3A_0, %arg0 : i32
    %mul3A_1 = arith.constant 1536 : i32
    %mul3A_2 = arith.muli %add3A, %mul3A_1 : i32
    %scan3A = arith.constant 0 : i32
    %scan3A_3 = arith.constant 0 : i32
    %scan3A_4 = arith.constant 12 : i32
    %scan3A_5 = arith.addi %scan3A_3, %scan3A_4 : i32
    %scan3A_6 = arith.constant 1 : i32
    scf.for %scan3A_8 = %scan3A_3 to %scan3A_5 step %scan3A_6  : i32 {
      %mul3A_9 = arith.constant 128 : i32
      %mul3A_10 = arith.muli %scan3A_8, %mul3A_9 : i32
      %add3A_11 = arith.addi %mul3A_2, %mul3A_10 : i32
      "tpu.region"() ({
        %run_scoped3A = tpu.sem_alloc : memref<!tpu.dma_semaphore, #tpu.memory_space<semaphore_mem>>
        %dma_start3A_16 = tpu.memref_slice %arg3[%add3A_11] : memref<49152xi32, #tpu.memory_space<hbm>> -> memref<128xi32, #tpu.memory_space<hbm>>
        %dma_start3A_17 = tpu.memref_slice %arg3[%add3A_11] : memref<49152xi32, #tpu.memory_space<hbm>> -> memref<128xi32, #tpu.memory_space<hbm>>
        tpu.enqueue_dma source(%dma_start3A_17 : memref<128xi32, #tpu.memory_space<hbm>>) target(%arg5 : memref<128xi32, #tpu.memory_space<vmem>>) target_semaphore(%run_scoped3A : memref<!tpu.dma_semaphore, #tpu.memory_space<semaphore_mem>>)
        %dma_wait3A_18 = tpu.memref_slice %arg3[%add3A_11] : memref<49152xi32, #tpu.memory_space<hbm>> -> memref<128xi32, #tpu.memory_space<hbm>>
        %dma_wait3A_19 = tpu.memref_slice %arg3[%add3A_11] : memref<49152xi32, #tpu.memory_space<hbm>> -> memref<128xi32, #tpu.memory_space<hbm>>
        tpu.wait_dma2 semaphore(%run_scoped3A : memref<!tpu.dma_semaphore, #tpu.memory_space<semaphore_mem>>) src(%dma_wait3A_19 : memref<128xi32, #tpu.memory_space<hbm>>) dst(%arg5 : memref<128xi32, #tpu.memory_space<vmem>>)
        tpu.yield
      }) : () -> ()
      %dma_start3A = arith.constant 0 : i32
      %dma_start3A_12 = arith.constant 0 : i32
      %dma_start3A_13 = tpu.memref_slice %arg2[%dma_start3A, %dma_start3A_12] : memref<100352x64xf32, #tpu.memory_space<hbm>> -> memref<100352x64xf32, #tpu.memory_space<hbm>>
      tpu.enqueue_indirect_dma source(%dma_start3A_13 : memref<100352x64xf32, #tpu.memory_space<hbm>>) target(%arg6 : memref<128x64xf32, #tpu.memory_space<vmem>>) offsets(%arg5 : memref<128xi32, #tpu.memory_space<vmem>>) semaphore(%arg7 : memref<!tpu.dma_semaphore, #tpu.memory_space<semaphore_mem>>)
      %dma_wait3A = arith.constant 0 : i32
      %dma_wait3A_14 = arith.constant 0 : i32
      %dma_wait3A_15 = tpu.memref_slice %arg2[%dma_wait3A, %dma_wait3A_14] : memref<100352x64xf32, #tpu.memory_space<hbm>> -> memref<100352x64xf32, #tpu.memory_space<hbm>>
      tpu.wait_indirect_dma semaphore(%arg7 : memref<!tpu.dma_semaphore, #tpu.memory_space<semaphore_mem>>) src(%dma_wait3A_15 : memref<100352x64xf32, #tpu.memory_space<hbm>>) dst(%arg6 : memref<128x64xf32, #tpu.memory_space<vmem>>)
      "tpu.region"() ({
        %run_scoped3A = tpu.sem_alloc : memref<!tpu.dma_semaphore, #tpu.memory_space<semaphore_mem>>
        %dma_start3A_16 = arith.constant 0 : i32
        %dma_start3A_17 = tpu.memref_slice %arg4[%add3A_11, %dma_start3A_16] : memref<49152x64xf32, #tpu.memory_space<hbm>> -> memref<128x64xf32, #tpu.memory_space<hbm>>
        %dma_start3A_18 = arith.constant 0 : i32
        %dma_start3A_19 = tpu.memref_slice %arg4[%add3A_11, %dma_start3A_18] : memref<49152x64xf32, #tpu.memory_space<hbm>> -> memref<128x64xf32, #tpu.memory_space<hbm>>
        tpu.enqueue_dma source(%arg6 : memref<128x64xf32, #tpu.memory_space<vmem>>) target(%dma_start3A_19 : memref<128x64xf32, #tpu.memory_space<hbm>>) target_semaphore(%run_scoped3A : memref<!tpu.dma_semaphore, #tpu.memory_space<semaphore_mem>>)
        %dma_wait3A_20 = arith.constant 0 : i32
        %dma_wait3A_21 = tpu.memref_slice %arg4[%add3A_11, %dma_wait3A_20] : memref<49152x64xf32, #tpu.memory_space<hbm>> -> memref<128x64xf32, #tpu.memory_space<hbm>>
        %dma_wait3A_22 = arith.constant 0 : i32
        %dma_wait3A_23 = tpu.memref_slice %arg4[%add3A_11, %dma_wait3A_22] : memref<49152x64xf32, #tpu.memory_space<hbm>> -> memref<128x64xf32, #tpu.memory_space<hbm>>
        tpu.wait_dma2 semaphore(%run_scoped3A : memref<!tpu.dma_semaphore, #tpu.memory_space<semaphore_mem>>) src(%arg6 : memref<128x64xf32, #tpu.memory_space<vmem>>) dst(%dma_wait3A_23 : memref<128x64xf32, #tpu.memory_space<hbm>>)
        tpu.yield
      }) : () -> ()
    }
    %scan3A_7 = arith.constant 12 : i32
    return
  }
}

#map = affine_map<(d0, d1) -> (0, 0)>
#map1 = affine_map<(d0, d1) -> (0)>
module attributes {stable_mosaic.version = 14 : i64} {
  func.func @_sc_scatter(%arg0: i32, %arg1: i32, %arg2: memref<100000x64xf32, #tpu.memory_space<hbm>>, %arg3: memref<1601536xi32, #tpu.memory_space<hbm>>, %arg4: memref<1601536xi32, #tpu.memory_space<hbm>>, %arg5: memref<100352x64xf32, #tpu.memory_space<hbm>>, %arg6: memref<100352xf32, #tpu.memory_space<hbm>>, %arg7: memref<128xi32, #tpu.memory_space<vmem>>, %arg8: memref<128xi32, #tpu.memory_space<vmem>>, %arg9: memref<128xi32, #tpu.memory_space<vmem>>, %arg10: memref<128x64xf32, #tpu.memory_space<vmem>>, %arg11: memref<128xi32, #tpu.memory_space<vmem>>, %arg12: memref<128xi32, #tpu.memory_space<vmem>>, %arg13: memref<128xi32, #tpu.memory_space<vmem>>, %arg14: memref<128x64xf32, #tpu.memory_space<vmem>>, %arg15: memref<128xf32, #tpu.memory_space<vmem>>, %arg16: memref<112x64xf32, #tpu.memory_space<vmem>>, %arg17: memref<112xf32, #tpu.memory_space<vmem>>, %arg18: memref<25096x64xf32, #tpu.memory_space<vmem_shared>>, %arg19: memref<25096xf32, #tpu.memory_space<vmem_shared>>, %arg20: memref<!tpu.dma_semaphore, #tpu.memory_space<semaphore_mem>>, %arg21: memref<!tpu.dma_semaphore, #tpu.memory_space<semaphore_mem>>) attributes {dimension_semantics = [#tpu.dimension_semantics<core_parallel>, #tpu.dimension_semantics<subcore_parallel>], iteration_bounds = array<i64: 2, 16>, scalar_prefetch = 0 : i64, scratch_operands = 15 : i64, tpu.core_type = #tpu.core_type<sc_vector_subcore>, window_params = [{transform_indices = #map}, {transform_indices = #map1}, {transform_indices = #map1}, {transform_indices = #map}, {transform_indices = #map1}]} {
    %broadcast_in_dim3A = arith.constant 0.000000e+00 : f32
    %broadcast_in_dim3A_0 = vector.broadcast %broadcast_in_dim3A : f32 to vector<16xf32>
    %broadcast_in_dim3A_1 = arith.constant 1.000000e+00 : f32
    %broadcast_in_dim3A_2 = vector.broadcast %broadcast_in_dim3A_1 : f32 to vector<16xf32>
    %swap3A = arith.constant 0 : index
    %swap3A_3 = tpu.vector_load %arg15[%swap3A] {strides = array<i32>} : memref<128xf32, #tpu.memory_space<vmem>>, vector<16xf32>,
    %swap3A_4 = vector.shape_cast %swap3A_3 : vector<16xf32> to vector<16xf32>
    %swap3A_5 = vector.shape_cast %broadcast_in_dim3A_2 : vector<16xf32> to vector<16xf32>
    tpu.vector_store %arg15[%swap3A], %swap3A_5 {strides = array<i32>} : memref<128xf32, #tpu.memory_space<vmem>>, vector<16xf32>,
    %swap3A_6 = arith.constant 16 : index
    %swap3A_7 = tpu.vector_load %arg15[%swap3A_6] {strides = array<i32>} : memref<128xf32, #tpu.memory_space<vmem>>, vector<16xf32>,
    %swap3A_8 = vector.shape_cast %swap3A_7 : vector<16xf32> to vector<16xf32>
    %swap3A_9 = vector.shape_cast %broadcast_in_dim3A_2 : vector<16xf32> to vector<16xf32>
    tpu.vector_store %arg15[%swap3A_6], %swap3A_9 {strides = array<i32>} : memref<128xf32, #tpu.memory_space<vmem>>, vector<16xf32>,
    %swap3A_10 = arith.constant 32 : index
    %swap3A_11 = tpu.vector_load %arg15[%swap3A_10] {strides = array<i32>} : memref<128xf32, #tpu.memory_space<vmem>>, vector<16xf32>,
    %swap3A_12 = vector.shape_cast %swap3A_11 : vector<16xf32> to vector<16xf32>
    %swap3A_13 = vector.shape_cast %broadcast_in_dim3A_2 : vector<16xf32> to vector<16xf32>
    tpu.vector_store %arg15[%swap3A_10], %swap3A_13 {strides = array<i32>} : memref<128xf32, #tpu.memory_space<vmem>>, vector<16xf32>,
    %swap3A_14 = arith.constant 48 : index
    %swap3A_15 = tpu.vector_load %arg15[%swap3A_14] {strides = array<i32>} : memref<128xf32, #tpu.memory_space<vmem>>, vector<16xf32>,
    %swap3A_16 = vector.shape_cast %swap3A_15 : vector<16xf32> to vector<16xf32>
    %swap3A_17 = vector.shape_cast %broadcast_in_dim3A_2 : vector<16xf32> to vector<16xf32>
    tpu.vector_store %arg15[%swap3A_14], %swap3A_17 {strides = array<i32>} : memref<128xf32, #tpu.memory_space<vmem>>, vector<16xf32>,
    %swap3A_18 = arith.constant 64 : index
    %swap3A_19 = tpu.vector_load %arg15[%swap3A_18] {strides = array<i32>} : memref<128xf32, #tpu.memory_space<vmem>>, vector<16xf32>,
    %swap3A_20 = vector.shape_cast %swap3A_19 : vector<16xf32> to vector<16xf32>
    %swap3A_21 = vector.shape_cast %broadcast_in_dim3A_2 : vector<16xf32> to vector<16xf32>
    tpu.vector_store %arg15[%swap3A_18], %swap3A_21 {strides = array<i32>} : memref<128xf32, #tpu.memory_space<vmem>>, vector<16xf32>,
    %swap3A_22 = arith.constant 80 : index
    %swap3A_23 = tpu.vector_load %arg15[%swap3A_22] {strides = array<i32>} : memref<128xf32, #tpu.memory_space<vmem>>, vector<16xf32>,
    %swap3A_24 = vector.shape_cast %swap3A_23 : vector<16xf32> to vector<16xf32>
    %swap3A_25 = vector.shape_cast %broadcast_in_dim3A_2 : vector<16xf32> to vector<16xf32>
    tpu.vector_store %arg15[%swap3A_22], %swap3A_25 {strides = array<i32>} : memref<128xf32, #tpu.memory_space<vmem>>, vector<16xf32>,
    %swap3A_26 = arith.constant 96 : index
    %swap3A_27 = tpu.vector_load %arg15[%swap3A_26] {strides = array<i32>} : memref<128xf32, #tpu.memory_space<vmem>>, vector<16xf32>,
    %swap3A_28 = vector.shape_cast %swap3A_27 : vector<16xf32> to vector<16xf32>
    %swap3A_29 = vector.shape_cast %broadcast_in_dim3A_2 : vector<16xf32> to vector<16xf32>
    tpu.vector_store %arg15[%swap3A_26], %swap3A_29 {strides = array<i32>} : memref<128xf32, #tpu.memory_space<vmem>>, vector<16xf32>,
    %swap3A_30 = arith.constant 112 : index
    %swap3A_31 = tpu.vector_load %arg15[%swap3A_30] {strides = array<i32>} : memref<128xf32, #tpu.memory_space<vmem>>, vector<16xf32>,
    %swap3A_32 = vector.shape_cast %swap3A_31 : vector<16xf32> to vector<16xf32>
    %swap3A_33 = vector.shape_cast %broadcast_in_dim3A_2 : vector<16xf32> to vector<16xf32>
    tpu.vector_store %arg15[%swap3A_30], %swap3A_33 {strides = array<i32>} : memref<128xf32, #tpu.memory_space<vmem>>, vector<16xf32>,
    %swap3A_34 = arith.constant 0 : index
    %swap3A_35 = tpu.vector_load %arg17[%swap3A_34] {strides = array<i32>} : memref<112xf32, #tpu.memory_space<vmem>>, vector<16xf32>,
    %swap3A_36 = vector.shape_cast %swap3A_35 : vector<16xf32> to vector<16xf32>
    %swap3A_37 = vector.shape_cast %broadcast_in_dim3A_0 : vector<16xf32> to vector<16xf32>
    tpu.vector_store %arg17[%swap3A_34], %swap3A_37 {strides = array<i32>} : memref<112xf32, #tpu.memory_space<vmem>>, vector<16xf32>,
    %swap3A_38 = arith.constant 16 : index
    %swap3A_39 = tpu.vector_load %arg17[%swap3A_38] {strides = array<i32>} : memref<112xf32, #tpu.memory_space<vmem>>, vector<16xf32>,
    %swap3A_40 = vector.shape_cast %swap3A_39 : vector<16xf32> to vector<16xf32>
    %swap3A_41 = vector.shape_cast %broadcast_in_dim3A_0 : vector<16xf32> to vector<16xf32>
    tpu.vector_store %arg17[%swap3A_38], %swap3A_41 {strides = array<i32>} : memref<112xf32, #tpu.memory_space<vmem>>, vector<16xf32>,
    %swap3A_42 = arith.constant 32 : index
    %swap3A_43 = tpu.vector_load %arg17[%swap3A_42] {strides = array<i32>} : memref<112xf32, #tpu.memory_space<vmem>>, vector<16xf32>,
    %swap3A_44 = vector.shape_cast %swap3A_43 : vector<16xf32> to vector<16xf32>
    %swap3A_45 = vector.shape_cast %broadcast_in_dim3A_0 : vector<16xf32> to vector<16xf32>
    tpu.vector_store %arg17[%swap3A_42], %swap3A_45 {strides = array<i32>} : memref<112xf32, #tpu.memory_space<vmem>>, vector<16xf32>,
    %swap3A_46 = arith.constant 48 : index
    %swap3A_47 = tpu.vector_load %arg17[%swap3A_46] {strides = array<i32>} : memref<112xf32, #tpu.memory_space<vmem>>, vector<16xf32>,
    %swap3A_48 = vector.shape_cast %swap3A_47 : vector<16xf32> to vector<16xf32>
    %swap3A_49 = vector.shape_cast %broadcast_in_dim3A_0 : vector<16xf32> to vector<16xf32>
    tpu.vector_store %arg17[%swap3A_46], %swap3A_49 {strides = array<i32>} : memref<112xf32, #tpu.memory_space<vmem>>, vector<16xf32>,
    %swap3A_50 = arith.constant 64 : index
    %swap3A_51 = tpu.vector_load %arg17[%swap3A_50] {strides = array<i32>} : memref<112xf32, #tpu.memory_space<vmem>>, vector<16xf32>,
    %swap3A_52 = vector.shape_cast %swap3A_51 : vector<16xf32> to vector<16xf32>
    %swap3A_53 = vector.shape_cast %broadcast_in_dim3A_0 : vector<16xf32> to vector<16xf32>
    tpu.vector_store %arg17[%swap3A_50], %swap3A_53 {strides = array<i32>} : memref<112xf32, #tpu.memory_space<vmem>>, vector<16xf32>,
    %swap3A_54 = arith.constant 80 : index
    %swap3A_55 = tpu.vector_load %arg17[%swap3A_54] {strides = array<i32>} : memref<112xf32, #tpu.memory_space<vmem>>, vector<16xf32>,
    %swap3A_56 = vector.shape_cast %swap3A_55 : vector<16xf32> to vector<16xf32>
    %swap3A_57 = vector.shape_cast %broadcast_in_dim3A_0 : vector<16xf32> to vector<16xf32>
    tpu.vector_store %arg17[%swap3A_54], %swap3A_57 {strides = array<i32>} : memref<112xf32, #tpu.memory_space<vmem>>, vector<16xf32>,
    %swap3A_58 = arith.constant 96 : index
    %swap3A_59 = tpu.vector_load %arg17[%swap3A_58] {strides = array<i32>} : memref<112xf32, #tpu.memory_space<vmem>>, vector<16xf32>,
    %swap3A_60 = vector.shape_cast %swap3A_59 : vector<16xf32> to vector<16xf32>
    %swap3A_61 = vector.shape_cast %broadcast_in_dim3A_0 : vector<16xf32> to vector<16xf32>
    tpu.vector_store %arg17[%swap3A_58], %swap3A_61 {strides = array<i32>} : memref<112xf32, #tpu.memory_space<vmem>>, vector<16xf32>,
    %scan3A = arith.constant 0 : i32
    %scan3A_62 = arith.constant 0 : i32
    %scan3A_63 = arith.constant 112 : i32
    %scan3A_64 = arith.addi %scan3A_62, %scan3A_63 : i32
    %scan3A_65 = arith.constant 1 : i32
    scf.for %scan3A_150 = %scan3A_62 to %scan3A_64 step %scan3A_65  : i32 {
      %swap3A_151 = arith.index_cast %scan3A_150 : i32 to index
      %swap3A_152 = arith.constant 0 : index
      %swap3A_153 = tpu.vector_load %arg16[%swap3A_151, %swap3A_152] {strides = array<i32>} : memref<112x64xf32, #tpu.memory_space<vmem>>, vector<1x16xf32>,
      %swap3A_154 = vector.shape_cast %swap3A_153 : vector<1x16xf32> to vector<16xf32>
      %swap3A_155 = vector.shape_cast %broadcast_in_dim3A_0 : vector<16xf32> to vector<1x16xf32>
      tpu.vector_store %arg16[%swap3A_151, %swap3A_152], %swap3A_155 {strides = array<i32>} : memref<112x64xf32, #tpu.memory_space<vmem>>, vector<1x16xf32>,
      %swap3A_156 = arith.index_cast %scan3A_150 : i32 to index
      %swap3A_157 = arith.constant 16 : index
      %swap3A_158 = tpu.vector_load %arg16[%swap3A_156, %swap3A_157] {strides = array<i32>} : memref<112x64xf32, #tpu.memory_space<vmem>>, vector<1x16xf32>,
      %swap3A_159 = vector.shape_cast %swap3A_158 : vector<1x16xf32> to vector<16xf32>
      %swap3A_160 = vector.shape_cast %broadcast_in_dim3A_0 : vector<16xf32> to vector<1x16xf32>
      tpu.vector_store %arg16[%swap3A_156, %swap3A_157], %swap3A_160 {strides = array<i32>} : memref<112x64xf32, #tpu.memory_space<vmem>>, vector<1x16xf32>,
      %swap3A_161 = arith.index_cast %scan3A_150 : i32 to index
      %swap3A_162 = arith.constant 32 : index
      %swap3A_163 = tpu.vector_load %arg16[%swap3A_161, %swap3A_162] {strides = array<i32>} : memref<112x64xf32, #tpu.memory_space<vmem>>, vector<1x16xf32>,
      %swap3A_164 = vector.shape_cast %swap3A_163 : vector<1x16xf32> to vector<16xf32>
      %swap3A_165 = vector.shape_cast %broadcast_in_dim3A_0 : vector<16xf32> to vector<1x16xf32>
      tpu.vector_store %arg16[%swap3A_161, %swap3A_162], %swap3A_165 {strides = array<i32>} : memref<112x64xf32, #tpu.memory_space<vmem>>, vector<1x16xf32>,
      %swap3A_166 = arith.index_cast %scan3A_150 : i32 to index
      %swap3A_167 = arith.constant 48 : index
      %swap3A_168 = tpu.vector_load %arg16[%swap3A_166, %swap3A_167] {strides = array<i32>} : memref<112x64xf32, #tpu.memory_space<vmem>>, vector<1x16xf32>,
      %swap3A_169 = vector.shape_cast %swap3A_168 : vector<1x16xf32> to vector<16xf32>
      %swap3A_170 = vector.shape_cast %broadcast_in_dim3A_0 : vector<16xf32> to vector<1x16xf32>
      tpu.vector_store %arg16[%swap3A_166, %swap3A_167], %swap3A_170 {strides = array<i32>} : memref<112x64xf32, #tpu.memory_space<vmem>>, vector<1x16xf32>,
    }
    %scan3A_66 = arith.constant 112 : i32
    %mul3A = arith.constant 2 : i32
    %mul3A_67 = arith.muli %arg0, %mul3A : i32
    %add3A = arith.constant 0 : i32
    %add3A_68 = arith.addi %mul3A_67, %add3A : i32
    %mul3A_69 = arith.constant 25088 : i32
    %mul3A_70 = arith.muli %add3A_68, %mul3A_69 : i32
    %mul3A_71 = arith.constant 1568 : i32
    %mul3A_72 = arith.muli %arg1, %mul3A_71 : i32
    %scan3A_73 = arith.constant 0 : i32
    %scan3A_74 = arith.constant 0 : i32
    %scan3A_75 = arith.constant 14 : i32
    %scan3A_76 = arith.addi %scan3A_74, %scan3A_75 : i32
    %scan3A_77 = arith.constant 1 : i32
    scf.for %scan3A_150 = %scan3A_74 to %scan3A_76 step %scan3A_77  : i32 {
      %mul3A_151 = arith.constant 112 : i32
      %mul3A_152 = arith.muli %scan3A_150, %mul3A_151 : i32
      %add3A_153 = arith.addi %mul3A_72, %mul3A_152 : i32
      "tpu.region"() ({
        %run_scoped3A = tpu.sem_alloc : memref<!tpu.dma_semaphore, #tpu.memory_space<semaphore_mem>>
        %dma_start3A_157 = arith.constant 0 : i32
        %dma_start3A_158 = tpu.memref_slice %arg18[%add3A_153, %dma_start3A_157] : memref<25096x64xf32, #tpu.memory_space<vmem_shared>> -> memref<112x64xf32, #tpu.memory_space<vmem_shared>>
        %dma_start3A_159 = arith.constant 0 : i32
        %dma_start3A_160 = tpu.memref_slice %arg18[%add3A_153, %dma_start3A_159] : memref<25096x64xf32, #tpu.memory_space<vmem_shared>> -> memref<112x64xf32, #tpu.memory_space<vmem_shared>>
        tpu.enqueue_dma source(%arg16 : memref<112x64xf32, #tpu.memory_space<vmem>>) target(%dma_start3A_160 : memref<112x64xf32, #tpu.memory_space<vmem_shared>>) target_semaphore(%run_scoped3A : memref<!tpu.dma_semaphore, #tpu.memory_space<semaphore_mem>>)
        %dma_wait3A_161 = arith.constant 0 : i32
        %dma_wait3A_162 = tpu.memref_slice %arg18[%add3A_153, %dma_wait3A_161] : memref<25096x64xf32, #tpu.memory_space<vmem_shared>> -> memref<112x64xf32, #tpu.memory_space<vmem_shared>>
        %dma_wait3A_163 = arith.constant 0 : i32
        %dma_wait3A_164 = tpu.memref_slice %arg18[%add3A_153, %dma_wait3A_163] : memref<25096x64xf32, #tpu.memory_space<vmem_shared>> -> memref<112x64xf32, #tpu.memory_space<vmem_shared>>
        tpu.wait_dma2 semaphore(%run_scoped3A : memref<!tpu.dma_semaphore, #tpu.memory_space<semaphore_mem>>) src(%arg16 : memref<112x64xf32, #tpu.memory_space<vmem>>) dst(%dma_wait3A_164 : memref<112x64xf32, #tpu.memory_space<vmem_shared>>)
        tpu.yield
      }) : () -> ()
      %mul3A_154 = arith.constant 112 : i32
      %mul3A_155 = arith.muli %scan3A_150, %mul3A_154 : i32
      %add3A_156 = arith.addi %mul3A_72, %mul3A_155 : i32
      "tpu.region"() ({
        %run_scoped3A = tpu.sem_alloc : memref<!tpu.dma_semaphore, #tpu.memory_space<semaphore_mem>>
        %dma_start3A_157 = tpu.memref_slice %arg19[%add3A_156] : memref<25096xf32, #tpu.memory_space<vmem_shared>> -> memref<112xf32, #tpu.memory_space<vmem_shared>>
        %dma_start3A_158 = tpu.memref_slice %arg19[%add3A_156] : memref<25096xf32, #tpu.memory_space<vmem_shared>> -> memref<112xf32, #tpu.memory_space<vmem_shared>>
        tpu.enqueue_dma source(%arg17 : memref<112xf32, #tpu.memory_space<vmem>>) target(%dma_start3A_158 : memref<112xf32, #tpu.memory_space<vmem_shared>>) target_semaphore(%run_scoped3A : memref<!tpu.dma_semaphore, #tpu.memory_space<semaphore_mem>>)
        %dma_wait3A_159 = tpu.memref_slice %arg19[%add3A_156] : memref<25096xf32, #tpu.memory_space<vmem_shared>> -> memref<112xf32, #tpu.memory_space<vmem_shared>>
        %dma_wait3A_160 = tpu.memref_slice %arg19[%add3A_156] : memref<25096xf32, #tpu.memory_space<vmem_shared>> -> memref<112xf32, #tpu.memory_space<vmem_shared>>
        tpu.wait_dma2 semaphore(%run_scoped3A : memref<!tpu.dma_semaphore, #tpu.memory_space<semaphore_mem>>) src(%arg17 : memref<112xf32, #tpu.memory_space<vmem>>) dst(%dma_wait3A_160 : memref<112xf32, #tpu.memory_space<vmem_shared>>)
        tpu.yield
      }) : () -> ()
    }
    %scan3A_78 = arith.constant 14 : i32
    %barrier3A = arith.constant 0 : index
    tpu.barrier barrier_id(%barrier3A)
    %mul3A_79 = arith.constant 100096 : i32
    %mul3A_80 = arith.muli %arg1, %mul3A_79 : i32
    %add3A_81 = arith.constant 0 : i32
    %add3A_82 = arith.addi %mul3A_80, %add3A_81 : i32
    "tpu.region"() ({
      %run_scoped3A = tpu.sem_alloc : memref<!tpu.dma_semaphore, #tpu.memory_space<semaphore_mem>>
      %dma_start3A_150 = tpu.memref_slice %arg3[%add3A_82] : memref<1601536xi32, #tpu.memory_space<hbm>> -> memref<128xi32, #tpu.memory_space<hbm>>
      %dma_start3A_151 = tpu.memref_slice %arg3[%add3A_82] : memref<1601536xi32, #tpu.memory_space<hbm>> -> memref<128xi32, #tpu.memory_space<hbm>>
      tpu.enqueue_dma source(%dma_start3A_151 : memref<128xi32, #tpu.memory_space<hbm>>) target(%arg7 : memref<128xi32, #tpu.memory_space<vmem>>) target_semaphore(%run_scoped3A : memref<!tpu.dma_semaphore, #tpu.memory_space<semaphore_mem>>)
      %dma_wait3A_152 = tpu.memref_slice %arg3[%add3A_82] : memref<1601536xi32, #tpu.memory_space<hbm>> -> memref<128xi32, #tpu.memory_space<hbm>>
      %dma_wait3A_153 = tpu.memref_slice %arg3[%add3A_82] : memref<1601536xi32, #tpu.memory_space<hbm>> -> memref<128xi32, #tpu.memory_space<hbm>>
      tpu.wait_dma2 semaphore(%run_scoped3A : memref<!tpu.dma_semaphore, #tpu.memory_space<semaphore_mem>>) src(%dma_wait3A_153 : memref<128xi32, #tpu.memory_space<hbm>>) dst(%arg7 : memref<128xi32, #tpu.memory_space<vmem>>)
      tpu.yield
    }) : () -> ()
    "tpu.region"() ({
      %run_scoped3A = tpu.sem_alloc : memref<!tpu.dma_semaphore, #tpu.memory_space<semaphore_mem>>
      %dma_start3A_150 = tpu.memref_slice %arg4[%add3A_82] : memref<1601536xi32, #tpu.memory_space<hbm>> -> memref<128xi32, #tpu.memory_space<hbm>>
      %dma_start3A_151 = tpu.memref_slice %arg4[%add3A_82] : memref<1601536xi32, #tpu.memory_space<hbm>> -> memref<128xi32, #tpu.memory_space<hbm>>
      tpu.enqueue_dma source(%dma_start3A_151 : memref<128xi32, #tpu.memory_space<hbm>>) target(%arg8 : memref<128xi32, #tpu.memory_space<vmem>>) target_semaphore(%run_scoped3A : memref<!tpu.dma_semaphore, #tpu.memory_space<semaphore_mem>>)
      %dma_wait3A_152 = tpu.memref_slice %arg4[%add3A_82] : memref<1601536xi32, #tpu.memory_space<hbm>> -> memref<128xi32, #tpu.memory_space<hbm>>
      %dma_wait3A_153 = tpu.memref_slice %arg4[%add3A_82] : memref<1601536xi32, #tpu.memory_space<hbm>> -> memref<128xi32, #tpu.memory_space<hbm>>
      tpu.wait_dma2 semaphore(%run_scoped3A : memref<!tpu.dma_semaphore, #tpu.memory_space<semaphore_mem>>) src(%dma_wait3A_153 : memref<128xi32, #tpu.memory_space<hbm>>) dst(%arg8 : memref<128xi32, #tpu.memory_space<vmem>>)
      tpu.yield
    }) : () -> ()
    %scan3A_83 = arith.constant 0 : i32
    %scan3A_84 = arith.constant 0 : i32
    %scan3A_85 = arith.constant 8 : i32
    %scan3A_86 = arith.addi %scan3A_84, %scan3A_85 : i32
    %scan3A_87 = arith.constant 1 : i32
    scf.for %scan3A_150 = %scan3A_84 to %scan3A_86 step %scan3A_87  : i32 {
      %mul3A_151 = arith.constant 16 : i32
      %mul3A_152 = arith.muli %scan3A_150, %mul3A_151 : i32
      %get3A = arith.index_cast %mul3A_152 : i32 to index
      %get3A_153 = tpu.vector_load %arg8[%get3A] {strides = array<i32>} : memref<128xi32, #tpu.memory_space<vmem>>, vector<16xi32>,
      %get3A_154 = vector.shape_cast %get3A_153 : vector<16xi32> to vector<16xi32>
      %ge3A = vector.broadcast %mul3A_70 : i32 to vector<16xi32>
      %ge3A_155 = arith.cmpi sge, %get3A_154, %ge3A : vector<16xi32>
      %add3A_156 = arith.constant 25088 : i32
      %add3A_157 = arith.addi %mul3A_70, %add3A_156 : i32
      %lt3A = vector.broadcast %add3A_157 : i32 to vector<16xi32>
      %lt3A_158 = arith.cmpi slt, %get3A_154, %lt3A : vector<16xi32>
      %and3A = arith.andi %ge3A_155, %lt3A_158 : vector<16xi1>
      %sub3A = vector.broadcast %mul3A_70 : i32 to vector<16xi32>
      %sub3A_159 = arith.subi %get3A_154, %sub3A : vector<16xi32>
      %jit3A = arith.constant 25088 : i32
      %broadcast_in_dim3A_160 = vector.broadcast %jit3A : i32 to vector<16xi32>
      %select_n3A = arith.select %and3A, %sub3A_159, %broadcast_in_dim3A_160 : vector<16xi1>, vector<16xi32>
      %mul3A_161 = arith.constant 16 : i32
      %mul3A_162 = arith.muli %scan3A_150, %mul3A_161 : i32
      %swap3A_163 = arith.index_cast %mul3A_162 : i32 to index
      %swap3A_164 = tpu.vector_load %arg9[%swap3A_163] {strides = array<i32>} : memref<128xi32, #tpu.memory_space<vmem>>, vector<16xi32>,
      %swap3A_165 = vector.shape_cast %swap3A_164 : vector<16xi32> to vector<16xi32>
      %swap3A_166 = vector.shape_cast %select_n3A : vector<16xi32> to vector<16xi32>
      tpu.vector_store %arg9[%swap3A_163], %swap3A_166 {strides = array<i32>} : memref<128xi32, #tpu.memory_space<vmem>>, vector<16xi32>,
    }
    %scan3A_88 = arith.constant 8 : i32
    %dma_start3A = arith.constant 0 : i32
    %dma_start3A_89 = arith.constant 0 : i32
    %dma_start3A_90 = tpu.memref_slice %arg2[%dma_start3A, %dma_start3A_89] : memref<100000x64xf32, #tpu.memory_space<hbm>> -> memref<100000x64xf32, #tpu.memory_space<hbm>>
    tpu.enqueue_indirect_dma source(%dma_start3A_90 : memref<100000x64xf32, #tpu.memory_space<hbm>>) target(%arg10 : memref<128x64xf32, #tpu.memory_space<vmem>>) offsets(%arg7 : memref<128xi32, #tpu.memory_space<vmem>>) semaphore(%arg20 : memref<!tpu.dma_semaphore, #tpu.memory_space<semaphore_mem>>)
    %scan3A_91 = arith.constant 0 : i32
    %scan3A_92 = arith.constant 0 : i32
    %scan3A_93 = arith.constant 391 : i32
    %scan3A_94 = arith.addi %scan3A_92, %scan3A_93 : i32
    %scan3A_95 = arith.constant 1 : i32
    scf.for %scan3A_150 = %scan3A_92 to %scan3A_94 step %scan3A_95  : i32 {
      %mul3A_151 = arith.constant 2 : i32
      %mul3A_152 = arith.muli %mul3A_151, %scan3A_150 : i32
      %add3A_153 = arith.constant 1 : i32
      %add3A_154 = arith.addi %mul3A_152, %add3A_153 : i32
      %mul3A_155 = arith.constant 100096 : i32
      %mul3A_156 = arith.muli %arg1, %mul3A_155 : i32
      %mul3A_157 = arith.constant 128 : i32
      %mul3A_158 = arith.muli %add3A_154, %mul3A_157 : i32
      %add3A_159 = arith.addi %mul3A_156, %mul3A_158 : i32
      "tpu.region"() ({
        %run_scoped3A = tpu.sem_alloc : memref<!tpu.dma_semaphore, #tpu.memory_space<semaphore_mem>>
        %dma_start3A_198 = tpu.memref_slice %arg3[%add3A_159] : memref<1601536xi32, #tpu.memory_space<hbm>> -> memref<128xi32, #tpu.memory_space<hbm>>
        %dma_start3A_199 = tpu.memref_slice %arg3[%add3A_159] : memref<1601536xi32, #tpu.memory_space<hbm>> -> memref<128xi32, #tpu.memory_space<hbm>>
        tpu.enqueue_dma source(%dma_start3A_199 : memref<128xi32, #tpu.memory_space<hbm>>) target(%arg11 : memref<128xi32, #tpu.memory_space<vmem>>) target_semaphore(%run_scoped3A : memref<!tpu.dma_semaphore, #tpu.memory_space<semaphore_mem>>)
        %dma_wait3A_200 = tpu.memref_slice %arg3[%add3A_159] : memref<1601536xi32, #tpu.memory_space<hbm>> -> memref<128xi32, #tpu.memory_space<hbm>>
        %dma_wait3A_201 = tpu.memref_slice %arg3[%add3A_159] : memref<1601536xi32, #tpu.memory_space<hbm>> -> memref<128xi32, #tpu.memory_space<hbm>>
        tpu.wait_dma2 semaphore(%run_scoped3A : memref<!tpu.dma_semaphore, #tpu.memory_space<semaphore_mem>>) src(%dma_wait3A_201 : memref<128xi32, #tpu.memory_space<hbm>>) dst(%arg11 : memref<128xi32, #tpu.memory_space<vmem>>)
        tpu.yield
      }) : () -> ()
      "tpu.region"() ({
        %run_scoped3A = tpu.sem_alloc : memref<!tpu.dma_semaphore, #tpu.memory_space<semaphore_mem>>
        %dma_start3A_198 = tpu.memref_slice %arg4[%add3A_159] : memref<1601536xi32, #tpu.memory_space<hbm>> -> memref<128xi32, #tpu.memory_space<hbm>>
        %dma_start3A_199 = tpu.memref_slice %arg4[%add3A_159] : memref<1601536xi32, #tpu.memory_space<hbm>> -> memref<128xi32, #tpu.memory_space<hbm>>
        tpu.enqueue_dma source(%dma_start3A_199 : memref<128xi32, #tpu.memory_space<hbm>>) target(%arg12 : memref<128xi32, #tpu.memory_space<vmem>>) target_semaphore(%run_scoped3A : memref<!tpu.dma_semaphore, #tpu.memory_space<semaphore_mem>>)
        %dma_wait3A_200 = tpu.memref_slice %arg4[%add3A_159] : memref<1601536xi32, #tpu.memory_space<hbm>> -> memref<128xi32, #tpu.memory_space<hbm>>
        %dma_wait3A_201 = tpu.memref_slice %arg4[%add3A_159] : memref<1601536xi32, #tpu.memory_space<hbm>> -> memref<128xi32, #tpu.memory_space<hbm>>
        tpu.wait_dma2 semaphore(%run_scoped3A : memref<!tpu.dma_semaphore, #tpu.memory_space<semaphore_mem>>) src(%dma_wait3A_201 : memref<128xi32, #tpu.memory_space<hbm>>) dst(%arg12 : memref<128xi32, #tpu.memory_space<vmem>>)
        tpu.yield
      }) : () -> ()
      %scan3A_160 = arith.constant 0 : i32
      %scan3A_161 = arith.constant 0 : i32
      %scan3A_162 = arith.constant 8 : i32
      %scan3A_163 = arith.addi %scan3A_161, %scan3A_162 : i32
      %scan3A_164 = arith.constant 1 : i32
      scf.for %scan3A_198 = %scan3A_161 to %scan3A_163 step %scan3A_164  : i32 {
        %mul3A_199 = arith.constant 16 : i32
        %mul3A_200 = arith.muli %scan3A_198, %mul3A_199 : i32
        %get3A = arith.index_cast %mul3A_200 : i32 to index
        %get3A_201 = tpu.vector_load %arg12[%get3A] {strides = array<i32>} : memref<128xi32, #tpu.memory_space<vmem>>, vector<16xi32>,
        %get3A_202 = vector.shape_cast %get3A_201 : vector<16xi32> to vector<16xi32>
        %ge3A = vector.broadcast %mul3A_70 : i32 to vector<16xi32>
        %ge3A_203 = arith.cmpi sge, %get3A_202, %ge3A : vector<16xi32>
        %add3A_204 = arith.constant 25088 : i32
        %add3A_205 = arith.addi %mul3A_70, %add3A_204 : i32
        %lt3A = vector.broadcast %add3A_205 : i32 to vector<16xi32>
        %lt3A_206 = arith.cmpi slt, %get3A_202, %lt3A : vector<16xi32>
        %and3A = arith.andi %ge3A_203, %lt3A_206 : vector<16xi1>
        %sub3A = vector.broadcast %mul3A_70 : i32 to vector<16xi32>
        %sub3A_207 = arith.subi %get3A_202, %sub3A : vector<16xi32>
        %jit3A = arith.constant 25088 : i32
        %broadcast_in_dim3A_208 = vector.broadcast %jit3A : i32 to vector<16xi32>
        %select_n3A = arith.select %and3A, %sub3A_207, %broadcast_in_dim3A_208 : vector<16xi1>, vector<16xi32>
        %mul3A_209 = arith.constant 16 : i32
        %mul3A_210 = arith.muli %scan3A_198, %mul3A_209 : i32
        %swap3A_211 = arith.index_cast %mul3A_210 : i32 to index
        %swap3A_212 = tpu.vector_load %arg13[%swap3A_211] {strides = array<i32>} : memref<128xi32, #tpu.memory_space<vmem>>, vector<16xi32>,
        %swap3A_213 = vector.shape_cast %swap3A_212 : vector<16xi32> to vector<16xi32>
        %swap3A_214 = vector.shape_cast %select_n3A : vector<16xi32> to vector<16xi32>
        tpu.vector_store %arg13[%swap3A_211], %swap3A_214 {strides = array<i32>} : memref<128xi32, #tpu.memory_space<vmem>>, vector<16xi32>,
      }
      %scan3A_165 = arith.constant 8 : i32
      %dma_start3A_166 = arith.constant 0 : i32
      %dma_start3A_167 = arith.constant 0 : i32
      %dma_start3A_168 = tpu.memref_slice %arg2[%dma_start3A_166, %dma_start3A_167] : memref<100000x64xf32, #tpu.memory_space<hbm>> -> memref<100000x64xf32, #tpu.memory_space<hbm>>
      tpu.enqueue_indirect_dma source(%dma_start3A_168 : memref<100000x64xf32, #tpu.memory_space<hbm>>) target(%arg14 : memref<128x64xf32, #tpu.memory_space<vmem>>) offsets(%arg11 : memref<128xi32, #tpu.memory_space<vmem>>) semaphore(%arg21 : memref<!tpu.dma_semaphore, #tpu.memory_space<semaphore_mem>>)
      %dma_wait3A_169 = arith.constant 0 : i32
      %dma_wait3A_170 = arith.constant 0 : i32
      %dma_wait3A_171 = tpu.memref_slice %arg2[%dma_wait3A_169, %dma_wait3A_170] : memref<100000x64xf32, #tpu.memory_space<hbm>> -> memref<128x64xf32, #tpu.memory_space<hbm>>
      %dma_wait3A_172 = arith.constant 0 : i32
      %dma_wait3A_173 = arith.constant 0 : i32
      %dma_wait3A_174 = tpu.memref_slice %arg2[%dma_wait3A_172, %dma_wait3A_173] : memref<100000x64xf32, #tpu.memory_space<hbm>> -> memref<128x64xf32, #tpu.memory_space<hbm>>
      tpu.wait_dma2 semaphore(%arg20 : memref<!tpu.dma_semaphore, #tpu.memory_space<semaphore_mem>>) src(%dma_wait3A_174 : memref<128x64xf32, #tpu.memory_space<hbm>>) dst(%arg10 : memref<128x64xf32, #tpu.memory_space<vmem>>)
      "tpu.region"() ({
        %run_scoped3A = tpu.sem_alloc : memref<!tpu.dma_semaphore, #tpu.memory_space<semaphore_mem>>
        %dma_start3A_198 = arith.constant 0 : i32
        %dma_start3A_199 = arith.constant 0 : i32
        %dma_start3A_200 = tpu.memref_slice %arg18[%dma_start3A_198, %dma_start3A_199] : memref<25096x64xf32, #tpu.memory_space<vmem_shared>> -> memref<25096x64xf32, #tpu.memory_space<vmem_shared>>
        tpu.enqueue_indirect_dma source(%arg10 : memref<128x64xf32, #tpu.memory_space<vmem>>) target(%dma_start3A_200 : memref<25096x64xf32, #tpu.memory_space<vmem_shared>>) offsets(%arg9 : memref<128xi32, #tpu.memory_space<vmem>>) semaphore(%run_scoped3A : memref<!tpu.dma_semaphore, #tpu.memory_space<semaphore_mem>>) {add = true}
        %dma_wait3A_201 = arith.constant 0 : i32
        %dma_wait3A_202 = arith.constant 0 : i32
        %dma_wait3A_203 = tpu.memref_slice %arg18[%dma_wait3A_201, %dma_wait3A_202] : memref<25096x64xf32, #tpu.memory_space<vmem_shared>> -> memref<25096x64xf32, #tpu.memory_space<vmem_shared>>
        tpu.wait_indirect_dma semaphore(%run_scoped3A : memref<!tpu.dma_semaphore, #tpu.memory_space<semaphore_mem>>) src(%arg10 : memref<128x64xf32, #tpu.memory_space<vmem>>) dst(%dma_wait3A_203 : memref<25096x64xf32, #tpu.memory_space<vmem_shared>>)
        tpu.yield
      }) : () -> ()
      "tpu.region"() ({
        %run_scoped3A = tpu.sem_alloc : memref<!tpu.dma_semaphore, #tpu.memory_space<semaphore_mem>>
        %dma_start3A_198 = arith.constant 0 : i32
        %dma_start3A_199 = tpu.memref_slice %arg19[%dma_start3A_198] : memref<25096xf32, #tpu.memory_space<vmem_shared>> -> memref<25096xf32, #tpu.memory_space<vmem_shared>>
        tpu.enqueue_indirect_dma source(%arg15 : memref<128xf32, #tpu.memory_space<vmem>>) target(%dma_start3A_199 : memref<25096xf32, #tpu.memory_space<vmem_shared>>) offsets(%arg9 : memref<128xi32, #tpu.memory_space<vmem>>) semaphore(%run_scoped3A : memref<!tpu.dma_semaphore, #tpu.memory_space<semaphore_mem>>) {add = true}
        %dma_wait3A_200 = arith.constant 0 : i32
        %dma_wait3A_201 = tpu.memref_slice %arg19[%dma_wait3A_200] : memref<25096xf32, #tpu.memory_space<vmem_shared>> -> memref<25096xf32, #tpu.memory_space<vmem_shared>>
        tpu.wait_indirect_dma semaphore(%run_scoped3A : memref<!tpu.dma_semaphore, #tpu.memory_space<semaphore_mem>>) src(%arg15 : memref<128xf32, #tpu.memory_space<vmem>>) dst(%dma_wait3A_201 : memref<25096xf32, #tpu.memory_space<vmem_shared>>)
        tpu.yield
      }) : () -> ()
      %add3A_175 = arith.constant 2 : i32
      %add3A_176 = arith.addi %mul3A_152, %add3A_175 : i32
      %min3A = arith.constant 781 : i32
      %min3A_177 = arith.minsi %add3A_176, %min3A : i32
      %mul3A_178 = arith.constant 100096 : i32
      %mul3A_179 = arith.muli %arg1, %mul3A_178 : i32
      %mul3A_180 = arith.constant 128 : i32
      %mul3A_181 = arith.muli %min3A_177, %mul3A_180 : i32
      %add3A_182 = arith.addi %mul3A_179, %mul3A_181 : i32
      "tpu.region"() ({
        %run_scoped3A = tpu.sem_alloc : memref<!tpu.dma_semaphore, #tpu.memory_space<semaphore_mem>>
        %dma_start3A_198 = tpu.memref_slice %arg3[%add3A_182] : memref<1601536xi32, #tpu.memory_space<hbm>> -> memref<128xi32, #tpu.memory_space<hbm>>
        %dma_start3A_199 = tpu.memref_slice %arg3[%add3A_182] : memref<1601536xi32, #tpu.memory_space<hbm>> -> memref<128xi32, #tpu.memory_space<hbm>>
        tpu.enqueue_dma source(%dma_start3A_199 : memref<128xi32, #tpu.memory_space<hbm>>) target(%arg7 : memref<128xi32, #tpu.memory_space<vmem>>) target_semaphore(%run_scoped3A : memref<!tpu.dma_semaphore, #tpu.memory_space<semaphore_mem>>)
        %dma_wait3A_200 = tpu.memref_slice %arg3[%add3A_182] : memref<1601536xi32, #tpu.memory_space<hbm>> -> memref<128xi32, #tpu.memory_space<hbm>>
        %dma_wait3A_201 = tpu.memref_slice %arg3[%add3A_182] : memref<1601536xi32, #tpu.memory_space<hbm>> -> memref<128xi32, #tpu.memory_space<hbm>>
        tpu.wait_dma2 semaphore(%run_scoped3A : memref<!tpu.dma_semaphore, #tpu.memory_space<semaphore_mem>>) src(%dma_wait3A_201 : memref<128xi32, #tpu.memory_space<hbm>>) dst(%arg7 : memref<128xi32, #tpu.memory_space<vmem>>)
        tpu.yield
      }) : () -> ()
      "tpu.region"() ({
        %run_scoped3A = tpu.sem_alloc : memref<!tpu.dma_semaphore, #tpu.memory_space<semaphore_mem>>
        %dma_start3A_198 = tpu.memref_slice %arg4[%add3A_182] : memref<1601536xi32, #tpu.memory_space<hbm>> -> memref<128xi32, #tpu.memory_space<hbm>>
        %dma_start3A_199 = tpu.memref_slice %arg4[%add3A_182] : memref<1601536xi32, #tpu.memory_space<hbm>> -> memref<128xi32, #tpu.memory_space<hbm>>
        tpu.enqueue_dma source(%dma_start3A_199 : memref<128xi32, #tpu.memory_space<hbm>>) target(%arg8 : memref<128xi32, #tpu.memory_space<vmem>>) target_semaphore(%run_scoped3A : memref<!tpu.dma_semaphore, #tpu.memory_space<semaphore_mem>>)
        %dma_wait3A_200 = tpu.memref_slice %arg4[%add3A_182] : memref<1601536xi32, #tpu.memory_space<hbm>> -> memref<128xi32, #tpu.memory_space<hbm>>
        %dma_wait3A_201 = tpu.memref_slice %arg4[%add3A_182] : memref<1601536xi32, #tpu.memory_space<hbm>> -> memref<128xi32, #tpu.memory_space<hbm>>
        tpu.wait_dma2 semaphore(%run_scoped3A : memref<!tpu.dma_semaphore, #tpu.memory_space<semaphore_mem>>) src(%dma_wait3A_201 : memref<128xi32, #tpu.memory_space<hbm>>) dst(%arg8 : memref<128xi32, #tpu.memory_space<vmem>>)
        tpu.yield
      }) : () -> ()
      %scan3A_183 = arith.constant 0 : i32
      %scan3A_184 = arith.constant 0 : i32
      %scan3A_185 = arith.constant 8 : i32
      %scan3A_186 = arith.addi %scan3A_184, %scan3A_185 : i32
      %scan3A_187 = arith.constant 1 : i32
      scf.for %scan3A_198 = %scan3A_184 to %scan3A_186 step %scan3A_187  : i32 {
        %mul3A_199 = arith.constant 16 : i32
        %mul3A_200 = arith.muli %scan3A_198, %mul3A_199 : i32
        %get3A = arith.index_cast %mul3A_200 : i32 to index
        %get3A_201 = tpu.vector_load %arg8[%get3A] {strides = array<i32>} : memref<128xi32, #tpu.memory_space<vmem>>, vector<16xi32>,
        %get3A_202 = vector.shape_cast %get3A_201 : vector<16xi32> to vector<16xi32>
        %ge3A = vector.broadcast %mul3A_70 : i32 to vector<16xi32>
        %ge3A_203 = arith.cmpi sge, %get3A_202, %ge3A : vector<16xi32>
        %add3A_204 = arith.constant 25088 : i32
        %add3A_205 = arith.addi %mul3A_70, %add3A_204 : i32
        %lt3A = vector.broadcast %add3A_205 : i32 to vector<16xi32>
        %lt3A_206 = arith.cmpi slt, %get3A_202, %lt3A : vector<16xi32>
        %and3A = arith.andi %ge3A_203, %lt3A_206 : vector<16xi1>
        %sub3A = vector.broadcast %mul3A_70 : i32 to vector<16xi32>
        %sub3A_207 = arith.subi %get3A_202, %sub3A : vector<16xi32>
        %jit3A = arith.constant 25088 : i32
        %broadcast_in_dim3A_208 = vector.broadcast %jit3A : i32 to vector<16xi32>
        %select_n3A = arith.select %and3A, %sub3A_207, %broadcast_in_dim3A_208 : vector<16xi1>, vector<16xi32>
        %mul3A_209 = arith.constant 16 : i32
        %mul3A_210 = arith.muli %scan3A_198, %mul3A_209 : i32
        %swap3A_211 = arith.index_cast %mul3A_210 : i32 to index
        %swap3A_212 = tpu.vector_load %arg9[%swap3A_211] {strides = array<i32>} : memref<128xi32, #tpu.memory_space<vmem>>, vector<16xi32>,
        %swap3A_213 = vector.shape_cast %swap3A_212 : vector<16xi32> to vector<16xi32>
        %swap3A_214 = vector.shape_cast %select_n3A : vector<16xi32> to vector<16xi32>
        tpu.vector_store %arg9[%swap3A_211], %swap3A_214 {strides = array<i32>} : memref<128xi32, #tpu.memory_space<vmem>>, vector<16xi32>,
      }
      %scan3A_188 = arith.constant 8 : i32
      %dma_start3A_189 = arith.constant 0 : i32
      %dma_start3A_190 = arith.constant 0 : i32
      %dma_start3A_191 = tpu.memref_slice %arg2[%dma_start3A_189, %dma_start3A_190] : memref<100000x64xf32, #tpu.memory_space<hbm>> -> memref<100000x64xf32, #tpu.memory_space<hbm>>
      tpu.enqueue_indirect_dma source(%dma_start3A_191 : memref<100000x64xf32, #tpu.memory_space<hbm>>) target(%arg10 : memref<128x64xf32, #tpu.memory_space<vmem>>) offsets(%arg7 : memref<128xi32, #tpu.memory_space<vmem>>) semaphore(%arg20 : memref<!tpu.dma_semaphore, #tpu.memory_space<semaphore_mem>>)
      %dma_wait3A_192 = arith.constant 0 : i32
      %dma_wait3A_193 = arith.constant 0 : i32
      %dma_wait3A_194 = tpu.memref_slice %arg2[%dma_wait3A_192, %dma_wait3A_193] : memref<100000x64xf32, #tpu.memory_space<hbm>> -> memref<128x64xf32, #tpu.memory_space<hbm>>
      %dma_wait3A_195 = arith.constant 0 : i32
      %dma_wait3A_196 = arith.constant 0 : i32
      %dma_wait3A_197 = tpu.memref_slice %arg2[%dma_wait3A_195, %dma_wait3A_196] : memref<100000x64xf32, #tpu.memory_space<hbm>> -> memref<128x64xf32, #tpu.memory_space<hbm>>
      tpu.wait_dma2 semaphore(%arg21 : memref<!tpu.dma_semaphore, #tpu.memory_space<semaphore_mem>>) src(%dma_wait3A_197 : memref<128x64xf32, #tpu.memory_space<hbm>>) dst(%arg14 : memref<128x64xf32, #tpu.memory_space<vmem>>)
      "tpu.region"() ({
        %run_scoped3A = tpu.sem_alloc : memref<!tpu.dma_semaphore, #tpu.memory_space<semaphore_mem>>
        %dma_start3A_198 = arith.constant 0 : i32
        %dma_start3A_199 = arith.constant 0 : i32
        %dma_start3A_200 = tpu.memref_slice %arg18[%dma_start3A_198, %dma_start3A_199] : memref<25096x64xf32, #tpu.memory_space<vmem_shared>> -> memref<25096x64xf32, #tpu.memory_space<vmem_shared>>
        tpu.enqueue_indirect_dma source(%arg14 : memref<128x64xf32, #tpu.memory_space<vmem>>) target(%dma_start3A_200 : memref<25096x64xf32, #tpu.memory_space<vmem_shared>>) offsets(%arg13 : memref<128xi32, #tpu.memory_space<vmem>>) semaphore(%run_scoped3A : memref<!tpu.dma_semaphore, #tpu.memory_space<semaphore_mem>>) {add = true}
        %dma_wait3A_201 = arith.constant 0 : i32
        %dma_wait3A_202 = arith.constant 0 : i32
        %dma_wait3A_203 = tpu.memref_slice %arg18[%dma_wait3A_201, %dma_wait3A_202] : memref<25096x64xf32, #tpu.memory_space<vmem_shared>> -> memref<25096x64xf32, #tpu.memory_space<vmem_shared>>
        tpu.wait_indirect_dma semaphore(%run_scoped3A : memref<!tpu.dma_semaphore, #tpu.memory_space<semaphore_mem>>) src(%arg14 : memref<128x64xf32, #tpu.memory_space<vmem>>) dst(%dma_wait3A_203 : memref<25096x64xf32, #tpu.memory_space<vmem_shared>>)
        tpu.yield
      }) : () -> ()
      "tpu.region"() ({
        %run_scoped3A = tpu.sem_alloc : memref<!tpu.dma_semaphore, #tpu.memory_space<semaphore_mem>>
        %dma_start3A_198 = arith.constant 0 : i32
        %dma_start3A_199 = tpu.memref_slice %arg19[%dma_start3A_198] : memref<25096xf32, #tpu.memory_space<vmem_shared>> -> memref<25096xf32, #tpu.memory_space<vmem_shared>>
        tpu.enqueue_indirect_dma source(%arg15 : memref<128xf32, #tpu.memory_space<vmem>>) target(%dma_start3A_199 : memref<25096xf32, #tpu.memory_space<vmem_shared>>) offsets(%arg13 : memref<128xi32, #tpu.memory_space<vmem>>) semaphore(%run_scoped3A : memref<!tpu.dma_semaphore, #tpu.memory_space<semaphore_mem>>) {add = true}
        %dma_wait3A_200 = arith.constant 0 : i32
        %dma_wait3A_201 = tpu.memref_slice %arg19[%dma_wait3A_200] : memref<25096xf32, #tpu.memory_space<vmem_shared>> -> memref<25096xf32, #tpu.memory_space<vmem_shared>>
        tpu.wait_indirect_dma semaphore(%run_scoped3A : memref<!tpu.dma_semaphore, #tpu.memory_space<semaphore_mem>>) src(%arg15 : memref<128xf32, #tpu.memory_space<vmem>>) dst(%dma_wait3A_201 : memref<25096xf32, #tpu.memory_space<vmem_shared>>)
        tpu.yield
      }) : () -> ()
    }
    %scan3A_96 = arith.constant 391 : i32
    %dma_wait3A = arith.constant 0 : i32
    %dma_wait3A_97 = arith.constant 0 : i32
    %dma_wait3A_98 = tpu.memref_slice %arg2[%dma_wait3A, %dma_wait3A_97] : memref<100000x64xf32, #tpu.memory_space<hbm>> -> memref<128x64xf32, #tpu.memory_space<hbm>>
    %dma_wait3A_99 = arith.constant 0 : i32
    %dma_wait3A_100 = arith.constant 0 : i32
    %dma_wait3A_101 = tpu.memref_slice %arg2[%dma_wait3A_99, %dma_wait3A_100] : memref<100000x64xf32, #tpu.memory_space<hbm>> -> memref<128x64xf32, #tpu.memory_space<hbm>>
    tpu.wait_dma2 semaphore(%arg20 : memref<!tpu.dma_semaphore, #tpu.memory_space<semaphore_mem>>) src(%dma_wait3A_101 : memref<128x64xf32, #tpu.memory_space<hbm>>) dst(%arg10 : memref<128x64xf32, #tpu.memory_space<vmem>>)
    %barrier3A_102 = arith.constant 0 : index
    tpu.barrier barrier_id(%barrier3A_102)
    %add3A_103 = arith.addi %mul3A_70, %mul3A_72 : i32
    "tpu.region"() ({
      %run_scoped3A = tpu.sem_alloc : memref<!tpu.dma_semaphore, #tpu.memory_space<semaphore_mem>>
      %dma_start3A_150 = arith.constant 0 : i32
      %dma_start3A_151 = tpu.memref_slice %arg5[%add3A_103, %dma_start3A_150] : memref<100352x64xf32, #tpu.memory_space<hbm>> -> memref<1568x64xf32, #tpu.memory_space<hbm>>
      %dma_start3A_152 = arith.constant 0 : i32
      %dma_start3A_153 = tpu.memref_slice %arg18[%mul3A_72, %dma_start3A_152] : memref<25096x64xf32, #tpu.memory_space<vmem_shared>> -> memref<1568x64xf32, #tpu.memory_space<vmem_shared>>
      tpu.enqueue_dma source(%dma_start3A_153 : memref<1568x64xf32, #tpu.memory_space<vmem_shared>>) target(%dma_start3A_151 : memref<1568x64xf32, #tpu.memory_space<hbm>>) target_semaphore(%run_scoped3A : memref<!tpu.dma_semaphore, #tpu.memory_space<semaphore_mem>>)
      %dma_wait3A_154 = arith.constant 0 : i32
      %dma_wait3A_155 = tpu.memref_slice %arg5[%add3A_103, %dma_wait3A_154] : memref<100352x64xf32, #tpu.memory_space<hbm>> -> memref<1568x64xf32, #tpu.memory_space<hbm>>
      %dma_wait3A_156 = arith.constant 0 : i32
      %dma_wait3A_157 = tpu.memref_slice %arg18[%mul3A_72, %dma_wait3A_156] : memref<25096x64xf32, #tpu.memory_space<vmem_shared>> -> memref<1568x64xf32, #tpu.memory_space<vmem_shared>>
      tpu.wait_dma2 semaphore(%run_scoped3A : memref<!tpu.dma_semaphore, #tpu.memory_space<semaphore_mem>>) src(%dma_wait3A_157 : memref<1568x64xf32, #tpu.memory_space<vmem_shared>>) dst(%dma_wait3A_155 : memref<1568x64xf32, #tpu.memory_space<hbm>>)
      tpu.yield
    }) : () -> ()
    %add3A_104 = arith.addi %mul3A_70, %mul3A_72 : i32
    "tpu.region"() ({
      %run_scoped3A = tpu.sem_alloc : memref<!tpu.dma_semaphore, #tpu.memory_space<semaphore_mem>>
      %dma_start3A_150 = tpu.memref_slice %arg6[%add3A_104] : memref<100352xf32, #tpu.memory_space<hbm>> -> memref<1568xf32, #tpu.memory_space<hbm>>
      %dma_start3A_151 = tpu.memref_slice %arg19[%mul3A_72] : memref<25096xf32, #tpu.memory_space<vmem_shared>> -> memref<1568xf32, #tpu.memory_space<vmem_shared>>
      tpu.enqueue_dma source(%dma_start3A_151 : memref<1568xf32, #tpu.memory_space<vmem_shared>>) target(%dma_start3A_150 : memref<1568xf32, #tpu.memory_space<hbm>>) target_semaphore(%run_scoped3A : memref<!tpu.dma_semaphore, #tpu.memory_space<semaphore_mem>>)
      %dma_wait3A_152 = tpu.memref_slice %arg6[%add3A_104] : memref<100352xf32, #tpu.memory_space<hbm>> -> memref<1568xf32, #tpu.memory_space<hbm>>
      %dma_wait3A_153 = tpu.memref_slice %arg19[%mul3A_72] : memref<25096xf32, #tpu.memory_space<vmem_shared>> -> memref<1568xf32, #tpu.memory_space<vmem_shared>>
      tpu.wait_dma2 semaphore(%run_scoped3A : memref<!tpu.dma_semaphore, #tpu.memory_space<semaphore_mem>>) src(%dma_wait3A_153 : memref<1568xf32, #tpu.memory_space<vmem_shared>>) dst(%dma_wait3A_152 : memref<1568xf32, #tpu.memory_space<hbm>>)
      tpu.yield
    }) : () -> ()
    %barrier3A_105 = arith.constant 0 : index
    tpu.barrier barrier_id(%barrier3A_105)
    %mul3A_106 = arith.constant 2 : i32
    %mul3A_107 = arith.muli %arg0, %mul3A_106 : i32
    %add3A_108 = arith.constant 1 : i32
    %add3A_109 = arith.addi %mul3A_107, %add3A_108 : i32
    %mul3A_110 = arith.constant 25088 : i32
    %mul3A_111 = arith.muli %add3A_109, %mul3A_110 : i32
    %mul3A_112 = arith.constant 1568 : i32
    %mul3A_113 = arith.muli %arg1, %mul3A_112 : i32
    %scan3A_114 = arith.constant 0 : i32
    %scan3A_115 = arith.constant 0 : i32
    %scan3A_116 = arith.constant 14 : i32
    %scan3A_117 = arith.addi %scan3A_115, %scan3A_116 : i32
    %scan3A_118 = arith.constant 1 : i32
    scf.for %scan3A_150 = %scan3A_115 to %scan3A_117 step %scan3A_118  : i32 {
      %mul3A_151 = arith.constant 112 : i32
      %mul3A_152 = arith.muli %scan3A_150, %mul3A_151 : i32
      %add3A_153 = arith.addi %mul3A_113, %mul3A_152 : i32
      "tpu.region"() ({
        %run_scoped3A = tpu.sem_alloc : memref<!tpu.dma_semaphore, #tpu.memory_space<semaphore_mem>>
        %dma_start3A_157 = arith.constant 0 : i32
        %dma_start3A_158 = tpu.memref_slice %arg18[%add3A_153, %dma_start3A_157] : memref<25096x64xf32, #tpu.memory_space<vmem_shared>> -> memref<112x64xf32, #tpu.memory_space<vmem_shared>>
        %dma_start3A_159 = arith.constant 0 : i32
        %dma_start3A_160 = tpu.memref_slice %arg18[%add3A_153, %dma_start3A_159] : memref<25096x64xf32, #tpu.memory_space<vmem_shared>> -> memref<112x64xf32, #tpu.memory_space<vmem_shared>>
        tpu.enqueue_dma source(%arg16 : memref<112x64xf32, #tpu.memory_space<vmem>>) target(%dma_start3A_160 : memref<112x64xf32, #tpu.memory_space<vmem_shared>>) target_semaphore(%run_scoped3A : memref<!tpu.dma_semaphore, #tpu.memory_space<semaphore_mem>>)
        %dma_wait3A_161 = arith.constant 0 : i32
        %dma_wait3A_162 = tpu.memref_slice %arg18[%add3A_153, %dma_wait3A_161] : memref<25096x64xf32, #tpu.memory_space<vmem_shared>> -> memref<112x64xf32, #tpu.memory_space<vmem_shared>>
        %dma_wait3A_163 = arith.constant 0 : i32
        %dma_wait3A_164 = tpu.memref_slice %arg18[%add3A_153, %dma_wait3A_163] : memref<25096x64xf32, #tpu.memory_space<vmem_shared>> -> memref<112x64xf32, #tpu.memory_space<vmem_shared>>
        tpu.wait_dma2 semaphore(%run_scoped3A : memref<!tpu.dma_semaphore, #tpu.memory_space<semaphore_mem>>) src(%arg16 : memref<112x64xf32, #tpu.memory_space<vmem>>) dst(%dma_wait3A_164 : memref<112x64xf32, #tpu.memory_space<vmem_shared>>)
        tpu.yield
      }) : () -> ()
      %mul3A_154 = arith.constant 112 : i32
      %mul3A_155 = arith.muli %scan3A_150, %mul3A_154 : i32
      %add3A_156 = arith.addi %mul3A_113, %mul3A_155 : i32
      "tpu.region"() ({
        %run_scoped3A = tpu.sem_alloc : memref<!tpu.dma_semaphore, #tpu.memory_space<semaphore_mem>>
        %dma_start3A_157 = tpu.memref_slice %arg19[%add3A_156] : memref<25096xf32, #tpu.memory_space<vmem_shared>> -> memref<112xf32, #tpu.memory_space<vmem_shared>>
        %dma_start3A_158 = tpu.memref_slice %arg19[%add3A_156] : memref<25096xf32, #tpu.memory_space<vmem_shared>> -> memref<112xf32, #tpu.memory_space<vmem_shared>>
        tpu.enqueue_dma source(%arg17 : memref<112xf32, #tpu.memory_space<vmem>>) target(%dma_start3A_158 : memref<112xf32, #tpu.memory_space<vmem_shared>>) target_semaphore(%run_scoped3A : memref<!tpu.dma_semaphore, #tpu.memory_space<semaphore_mem>>)
        %dma_wait3A_159 = tpu.memref_slice %arg19[%add3A_156] : memref<25096xf32, #tpu.memory_space<vmem_shared>> -> memref<112xf32, #tpu.memory_space<vmem_shared>>
        %dma_wait3A_160 = tpu.memref_slice %arg19[%add3A_156] : memref<25096xf32, #tpu.memory_space<vmem_shared>> -> memref<112xf32, #tpu.memory_space<vmem_shared>>
        tpu.wait_dma2 semaphore(%run_scoped3A : memref<!tpu.dma_semaphore, #tpu.memory_space<semaphore_mem>>) src(%arg17 : memref<112xf32, #tpu.memory_space<vmem>>) dst(%dma_wait3A_160 : memref<112xf32, #tpu.memory_space<vmem_shared>>)
        tpu.yield
      }) : () -> ()
    }
    %scan3A_119 = arith.constant 14 : i32
    %barrier3A_120 = arith.constant 0 : index
    tpu.barrier barrier_id(%barrier3A_120)
    %mul3A_121 = arith.constant 100096 : i32
    %mul3A_122 = arith.muli %arg1, %mul3A_121 : i32
    %add3A_123 = arith.constant 0 : i32
    %add3A_124 = arith.addi %mul3A_122, %add3A_123 : i32
    "tpu.region"() ({
      %run_scoped3A = tpu.sem_alloc : memref<!tpu.dma_semaphore, #tpu.memory_space<semaphore_mem>>
      %dma_start3A_150 = tpu.memref_slice %arg3[%add3A_124] : memref<1601536xi32, #tpu.memory_space<hbm>> -> memref<128xi32, #tpu.memory_space<hbm>>
      %dma_start3A_151 = tpu.memref_slice %arg3[%add3A_124] : memref<1601536xi32, #tpu.memory_space<hbm>> -> memref<128xi32, #tpu.memory_space<hbm>>
      tpu.enqueue_dma source(%dma_start3A_151 : memref<128xi32, #tpu.memory_space<hbm>>) target(%arg7 : memref<128xi32, #tpu.memory_space<vmem>>) target_semaphore(%run_scoped3A : memref<!tpu.dma_semaphore, #tpu.memory_space<semaphore_mem>>)
      %dma_wait3A_152 = tpu.memref_slice %arg3[%add3A_124] : memref<1601536xi32, #tpu.memory_space<hbm>> -> memref<128xi32, #tpu.memory_space<hbm>>
      %dma_wait3A_153 = tpu.memref_slice %arg3[%add3A_124] : memref<1601536xi32, #tpu.memory_space<hbm>> -> memref<128xi32, #tpu.memory_space<hbm>>
      tpu.wait_dma2 semaphore(%run_scoped3A : memref<!tpu.dma_semaphore, #tpu.memory_space<semaphore_mem>>) src(%dma_wait3A_153 : memref<128xi32, #tpu.memory_space<hbm>>) dst(%arg7 : memref<128xi32, #tpu.memory_space<vmem>>)
      tpu.yield
    }) : () -> ()
    "tpu.region"() ({
      %run_scoped3A = tpu.sem_alloc : memref<!tpu.dma_semaphore, #tpu.memory_space<semaphore_mem>>
      %dma_start3A_150 = tpu.memref_slice %arg4[%add3A_124] : memref<1601536xi32, #tpu.memory_space<hbm>> -> memref<128xi32, #tpu.memory_space<hbm>>
      %dma_start3A_151 = tpu.memref_slice %arg4[%add3A_124] : memref<1601536xi32, #tpu.memory_space<hbm>> -> memref<128xi32, #tpu.memory_space<hbm>>
      tpu.enqueue_dma source(%dma_start3A_151 : memref<128xi32, #tpu.memory_space<hbm>>) target(%arg8 : memref<128xi32, #tpu.memory_space<vmem>>) target_semaphore(%run_scoped3A : memref<!tpu.dma_semaphore, #tpu.memory_space<semaphore_mem>>)
      %dma_wait3A_152 = tpu.memref_slice %arg4[%add3A_124] : memref<1601536xi32, #tpu.memory_space<hbm>> -> memref<128xi32, #tpu.memory_space<hbm>>
      %dma_wait3A_153 = tpu.memref_slice %arg4[%add3A_124] : memref<1601536xi32, #tpu.memory_space<hbm>> -> memref<128xi32, #tpu.memory_space<hbm>>
      tpu.wait_dma2 semaphore(%run_scoped3A : memref<!tpu.dma_semaphore, #tpu.memory_space<semaphore_mem>>) src(%dma_wait3A_153 : memref<128xi32, #tpu.memory_space<hbm>>) dst(%arg8 : memref<128xi32, #tpu.memory_space<vmem>>)
      tpu.yield
    }) : () -> ()
    %scan3A_125 = arith.constant 0 : i32
    %scan3A_126 = arith.constant 0 : i32
    %scan3A_127 = arith.constant 8 : i32
    %scan3A_128 = arith.addi %scan3A_126, %scan3A_127 : i32
    %scan3A_129 = arith.constant 1 : i32
    scf.for %scan3A_150 = %scan3A_126 to %scan3A_128 step %scan3A_129  : i32 {
      %mul3A_151 = arith.constant 16 : i32
      %mul3A_152 = arith.muli %scan3A_150, %mul3A_151 : i32
      %get3A = arith.index_cast %mul3A_152 : i32 to index
      %get3A_153 = tpu.vector_load %arg8[%get3A] {strides = array<i32>} : memref<128xi32, #tpu.memory_space<vmem>>, vector<16xi32>,
      %get3A_154 = vector.shape_cast %get3A_153 : vector<16xi32> to vector<16xi32>
      %ge3A = vector.broadcast %mul3A_111 : i32 to vector<16xi32>
      %ge3A_155 = arith.cmpi sge, %get3A_154, %ge3A : vector<16xi32>
      %add3A_156 = arith.constant 25088 : i32
      %add3A_157 = arith.addi %mul3A_111, %add3A_156 : i32
      %lt3A = vector.broadcast %add3A_157 : i32 to vector<16xi32>
      %lt3A_158 = arith.cmpi slt, %get3A_154, %lt3A : vector<16xi32>
      %and3A = arith.andi %ge3A_155, %lt3A_158 : vector<16xi1>
      %sub3A = vector.broadcast %mul3A_111 : i32 to vector<16xi32>
      %sub3A_159 = arith.subi %get3A_154, %sub3A : vector<16xi32>
      %jit3A = arith.constant 25088 : i32
      %broadcast_in_dim3A_160 = vector.broadcast %jit3A : i32 to vector<16xi32>
      %select_n3A = arith.select %and3A, %sub3A_159, %broadcast_in_dim3A_160 : vector<16xi1>, vector<16xi32>
      %mul3A_161 = arith.constant 16 : i32
      %mul3A_162 = arith.muli %scan3A_150, %mul3A_161 : i32
      %swap3A_163 = arith.index_cast %mul3A_162 : i32 to index
      %swap3A_164 = tpu.vector_load %arg9[%swap3A_163] {strides = array<i32>} : memref<128xi32, #tpu.memory_space<vmem>>, vector<16xi32>,
      %swap3A_165 = vector.shape_cast %swap3A_164 : vector<16xi32> to vector<16xi32>
      %swap3A_166 = vector.shape_cast %select_n3A : vector<16xi32> to vector<16xi32>
      tpu.vector_store %arg9[%swap3A_163], %swap3A_166 {strides = array<i32>} : memref<128xi32, #tpu.memory_space<vmem>>, vector<16xi32>,
    }
    %scan3A_130 = arith.constant 8 : i32
    %dma_start3A_131 = arith.constant 0 : i32
    %dma_start3A_132 = arith.constant 0 : i32
    %dma_start3A_133 = tpu.memref_slice %arg2[%dma_start3A_131, %dma_start3A_132] : memref<100000x64xf32, #tpu.memory_space<hbm>> -> memref<100000x64xf32, #tpu.memory_space<hbm>>
    tpu.enqueue_indirect_dma source(%dma_start3A_133 : memref<100000x64xf32, #tpu.memory_space<hbm>>) target(%arg10 : memref<128x64xf32, #tpu.memory_space<vmem>>) offsets(%arg7 : memref<128xi32, #tpu.memory_space<vmem>>) semaphore(%arg20 : memref<!tpu.dma_semaphore, #tpu.memory_space<semaphore_mem>>)
    %scan3A_134 = arith.constant 0 : i32
    %scan3A_135 = arith.constant 0 : i32
    %scan3A_136 = arith.constant 391 : i32
    %scan3A_137 = arith.addi %scan3A_135, %scan3A_136 : i32
    %scan3A_138 = arith.constant 1 : i32
    scf.for %scan3A_150 = %scan3A_135 to %scan3A_137 step %scan3A_138  : i32 {
      %mul3A_151 = arith.constant 2 : i32
      %mul3A_152 = arith.muli %mul3A_151, %scan3A_150 : i32
      %add3A_153 = arith.constant 1 : i32
      %add3A_154 = arith.addi %mul3A_152, %add3A_153 : i32
      %mul3A_155 = arith.constant 100096 : i32
      %mul3A_156 = arith.muli %arg1, %mul3A_155 : i32
      %mul3A_157 = arith.constant 128 : i32
      %mul3A_158 = arith.muli %add3A_154, %mul3A_157 : i32
      %add3A_159 = arith.addi %mul3A_156, %mul3A_158 : i32
      "tpu.region"() ({
        %run_scoped3A = tpu.sem_alloc : memref<!tpu.dma_semaphore, #tpu.memory_space<semaphore_mem>>
        %dma_start3A_198 = tpu.memref_slice %arg3[%add3A_159] : memref<1601536xi32, #tpu.memory_space<hbm>> -> memref<128xi32, #tpu.memory_space<hbm>>
        %dma_start3A_199 = tpu.memref_slice %arg3[%add3A_159] : memref<1601536xi32, #tpu.memory_space<hbm>> -> memref<128xi32, #tpu.memory_space<hbm>>
        tpu.enqueue_dma source(%dma_start3A_199 : memref<128xi32, #tpu.memory_space<hbm>>) target(%arg11 : memref<128xi32, #tpu.memory_space<vmem>>) target_semaphore(%run_scoped3A : memref<!tpu.dma_semaphore, #tpu.memory_space<semaphore_mem>>)
        %dma_wait3A_200 = tpu.memref_slice %arg3[%add3A_159] : memref<1601536xi32, #tpu.memory_space<hbm>> -> memref<128xi32, #tpu.memory_space<hbm>>
        %dma_wait3A_201 = tpu.memref_slice %arg3[%add3A_159] : memref<1601536xi32, #tpu.memory_space<hbm>> -> memref<128xi32, #tpu.memory_space<hbm>>
        tpu.wait_dma2 semaphore(%run_scoped3A : memref<!tpu.dma_semaphore, #tpu.memory_space<semaphore_mem>>) src(%dma_wait3A_201 : memref<128xi32, #tpu.memory_space<hbm>>) dst(%arg11 : memref<128xi32, #tpu.memory_space<vmem>>)
        tpu.yield
      }) : () -> ()
      "tpu.region"() ({
        %run_scoped3A = tpu.sem_alloc : memref<!tpu.dma_semaphore, #tpu.memory_space<semaphore_mem>>
        %dma_start3A_198 = tpu.memref_slice %arg4[%add3A_159] : memref<1601536xi32, #tpu.memory_space<hbm>> -> memref<128xi32, #tpu.memory_space<hbm>>
        %dma_start3A_199 = tpu.memref_slice %arg4[%add3A_159] : memref<1601536xi32, #tpu.memory_space<hbm>> -> memref<128xi32, #tpu.memory_space<hbm>>
        tpu.enqueue_dma source(%dma_start3A_199 : memref<128xi32, #tpu.memory_space<hbm>>) target(%arg12 : memref<128xi32, #tpu.memory_space<vmem>>) target_semaphore(%run_scoped3A : memref<!tpu.dma_semaphore, #tpu.memory_space<semaphore_mem>>)
        %dma_wait3A_200 = tpu.memref_slice %arg4[%add3A_159] : memref<1601536xi32, #tpu.memory_space<hbm>> -> memref<128xi32, #tpu.memory_space<hbm>>
        %dma_wait3A_201 = tpu.memref_slice %arg4[%add3A_159] : memref<1601536xi32, #tpu.memory_space<hbm>> -> memref<128xi32, #tpu.memory_space<hbm>>
        tpu.wait_dma2 semaphore(%run_scoped3A : memref<!tpu.dma_semaphore, #tpu.memory_space<semaphore_mem>>) src(%dma_wait3A_201 : memref<128xi32, #tpu.memory_space<hbm>>) dst(%arg12 : memref<128xi32, #tpu.memory_space<vmem>>)
        tpu.yield
      }) : () -> ()
      %scan3A_160 = arith.constant 0 : i32
      %scan3A_161 = arith.constant 0 : i32
      %scan3A_162 = arith.constant 8 : i32
      %scan3A_163 = arith.addi %scan3A_161, %scan3A_162 : i32
      %scan3A_164 = arith.constant 1 : i32
      scf.for %scan3A_198 = %scan3A_161 to %scan3A_163 step %scan3A_164  : i32 {
        %mul3A_199 = arith.constant 16 : i32
        %mul3A_200 = arith.muli %scan3A_198, %mul3A_199 : i32
        %get3A = arith.index_cast %mul3A_200 : i32 to index
        %get3A_201 = tpu.vector_load %arg12[%get3A] {strides = array<i32>} : memref<128xi32, #tpu.memory_space<vmem>>, vector<16xi32>,
        %get3A_202 = vector.shape_cast %get3A_201 : vector<16xi32> to vector<16xi32>
        %ge3A = vector.broadcast %mul3A_111 : i32 to vector<16xi32>
        %ge3A_203 = arith.cmpi sge, %get3A_202, %ge3A : vector<16xi32>
        %add3A_204 = arith.constant 25088 : i32
        %add3A_205 = arith.addi %mul3A_111, %add3A_204 : i32
        %lt3A = vector.broadcast %add3A_205 : i32 to vector<16xi32>
        %lt3A_206 = arith.cmpi slt, %get3A_202, %lt3A : vector<16xi32>
        %and3A = arith.andi %ge3A_203, %lt3A_206 : vector<16xi1>
        %sub3A = vector.broadcast %mul3A_111 : i32 to vector<16xi32>
        %sub3A_207 = arith.subi %get3A_202, %sub3A : vector<16xi32>
        %jit3A = arith.constant 25088 : i32
        %broadcast_in_dim3A_208 = vector.broadcast %jit3A : i32 to vector<16xi32>
        %select_n3A = arith.select %and3A, %sub3A_207, %broadcast_in_dim3A_208 : vector<16xi1>, vector<16xi32>
        %mul3A_209 = arith.constant 16 : i32
        %mul3A_210 = arith.muli %scan3A_198, %mul3A_209 : i32
        %swap3A_211 = arith.index_cast %mul3A_210 : i32 to index
        %swap3A_212 = tpu.vector_load %arg13[%swap3A_211] {strides = array<i32>} : memref<128xi32, #tpu.memory_space<vmem>>, vector<16xi32>,
        %swap3A_213 = vector.shape_cast %swap3A_212 : vector<16xi32> to vector<16xi32>
        %swap3A_214 = vector.shape_cast %select_n3A : vector<16xi32> to vector<16xi32>
        tpu.vector_store %arg13[%swap3A_211], %swap3A_214 {strides = array<i32>} : memref<128xi32, #tpu.memory_space<vmem>>, vector<16xi32>,
      }
      %scan3A_165 = arith.constant 8 : i32
      %dma_start3A_166 = arith.constant 0 : i32
      %dma_start3A_167 = arith.constant 0 : i32
      %dma_start3A_168 = tpu.memref_slice %arg2[%dma_start3A_166, %dma_start3A_167] : memref<100000x64xf32, #tpu.memory_space<hbm>> -> memref<100000x64xf32, #tpu.memory_space<hbm>>
      tpu.enqueue_indirect_dma source(%dma_start3A_168 : memref<100000x64xf32, #tpu.memory_space<hbm>>) target(%arg14 : memref<128x64xf32, #tpu.memory_space<vmem>>) offsets(%arg11 : memref<128xi32, #tpu.memory_space<vmem>>) semaphore(%arg21 : memref<!tpu.dma_semaphore, #tpu.memory_space<semaphore_mem>>)
      %dma_wait3A_169 = arith.constant 0 : i32
      %dma_wait3A_170 = arith.constant 0 : i32
      %dma_wait3A_171 = tpu.memref_slice %arg2[%dma_wait3A_169, %dma_wait3A_170] : memref<100000x64xf32, #tpu.memory_space<hbm>> -> memref<128x64xf32, #tpu.memory_space<hbm>>
      %dma_wait3A_172 = arith.constant 0 : i32
      %dma_wait3A_173 = arith.constant 0 : i32
      %dma_wait3A_174 = tpu.memref_slice %arg2[%dma_wait3A_172, %dma_wait3A_173] : memref<100000x64xf32, #tpu.memory_space<hbm>> -> memref<128x64xf32, #tpu.memory_space<hbm>>
      tpu.wait_dma2 semaphore(%arg20 : memref<!tpu.dma_semaphore, #tpu.memory_space<semaphore_mem>>) src(%dma_wait3A_174 : memref<128x64xf32, #tpu.memory_space<hbm>>) dst(%arg10 : memref<128x64xf32, #tpu.memory_space<vmem>>)
      "tpu.region"() ({
        %run_scoped3A = tpu.sem_alloc : memref<!tpu.dma_semaphore, #tpu.memory_space<semaphore_mem>>
        %dma_start3A_198 = arith.constant 0 : i32
        %dma_start3A_199 = arith.constant 0 : i32
        %dma_start3A_200 = tpu.memref_slice %arg18[%dma_start3A_198, %dma_start3A_199] : memref<25096x64xf32, #tpu.memory_space<vmem_shared>> -> memref<25096x64xf32, #tpu.memory_space<vmem_shared>>
        tpu.enqueue_indirect_dma source(%arg10 : memref<128x64xf32, #tpu.memory_space<vmem>>) target(%dma_start3A_200 : memref<25096x64xf32, #tpu.memory_space<vmem_shared>>) offsets(%arg9 : memref<128xi32, #tpu.memory_space<vmem>>) semaphore(%run_scoped3A : memref<!tpu.dma_semaphore, #tpu.memory_space<semaphore_mem>>) {add = true}
        %dma_wait3A_201 = arith.constant 0 : i32
        %dma_wait3A_202 = arith.constant 0 : i32
        %dma_wait3A_203 = tpu.memref_slice %arg18[%dma_wait3A_201, %dma_wait3A_202] : memref<25096x64xf32, #tpu.memory_space<vmem_shared>> -> memref<25096x64xf32, #tpu.memory_space<vmem_shared>>
        tpu.wait_indirect_dma semaphore(%run_scoped3A : memref<!tpu.dma_semaphore, #tpu.memory_space<semaphore_mem>>) src(%arg10 : memref<128x64xf32, #tpu.memory_space<vmem>>) dst(%dma_wait3A_203 : memref<25096x64xf32, #tpu.memory_space<vmem_shared>>)
        tpu.yield
      }) : () -> ()
      "tpu.region"() ({
        %run_scoped3A = tpu.sem_alloc : memref<!tpu.dma_semaphore, #tpu.memory_space<semaphore_mem>>
        %dma_start3A_198 = arith.constant 0 : i32
        %dma_start3A_199 = tpu.memref_slice %arg19[%dma_start3A_198] : memref<25096xf32, #tpu.memory_space<vmem_shared>> -> memref<25096xf32, #tpu.memory_space<vmem_shared>>
        tpu.enqueue_indirect_dma source(%arg15 : memref<128xf32, #tpu.memory_space<vmem>>) target(%dma_start3A_199 : memref<25096xf32, #tpu.memory_space<vmem_shared>>) offsets(%arg9 : memref<128xi32, #tpu.memory_space<vmem>>) semaphore(%run_scoped3A : memref<!tpu.dma_semaphore, #tpu.memory_space<semaphore_mem>>) {add = true}
        %dma_wait3A_200 = arith.constant 0 : i32
        %dma_wait3A_201 = tpu.memref_slice %arg19[%dma_wait3A_200] : memref<25096xf32, #tpu.memory_space<vmem_shared>> -> memref<25096xf32, #tpu.memory_space<vmem_shared>>
        tpu.wait_indirect_dma semaphore(%run_scoped3A : memref<!tpu.dma_semaphore, #tpu.memory_space<semaphore_mem>>) src(%arg15 : memref<128xf32, #tpu.memory_space<vmem>>) dst(%dma_wait3A_201 : memref<25096xf32, #tpu.memory_space<vmem_shared>>)
        tpu.yield
      }) : () -> ()
      %add3A_175 = arith.constant 2 : i32
      %add3A_176 = arith.addi %mul3A_152, %add3A_175 : i32
      %min3A = arith.constant 781 : i32
      %min3A_177 = arith.minsi %add3A_176, %min3A : i32
      %mul3A_178 = arith.constant 100096 : i32
      %mul3A_179 = arith.muli %arg1, %mul3A_178 : i32
      %mul3A_180 = arith.constant 128 : i32
      %mul3A_181 = arith.muli %min3A_177, %mul3A_180 : i32
      %add3A_182 = arith.addi %mul3A_179, %mul3A_181 : i32
      "tpu.region"() ({
        %run_scoped3A = tpu.sem_alloc : memref<!tpu.dma_semaphore, #tpu.memory_space<semaphore_mem>>
        %dma_start3A_198 = tpu.memref_slice %arg3[%add3A_182] : memref<1601536xi32, #tpu.memory_space<hbm>> -> memref<128xi32, #tpu.memory_space<hbm>>
        %dma_start3A_199 = tpu.memref_slice %arg3[%add3A_182] : memref<1601536xi32, #tpu.memory_space<hbm>> -> memref<128xi32, #tpu.memory_space<hbm>>
        tpu.enqueue_dma source(%dma_start3A_199 : memref<128xi32, #tpu.memory_space<hbm>>) target(%arg7 : memref<128xi32, #tpu.memory_space<vmem>>) target_semaphore(%run_scoped3A : memref<!tpu.dma_semaphore, #tpu.memory_space<semaphore_mem>>)
        %dma_wait3A_200 = tpu.memref_slice %arg3[%add3A_182] : memref<1601536xi32, #tpu.memory_space<hbm>> -> memref<128xi32, #tpu.memory_space<hbm>>
        %dma_wait3A_201 = tpu.memref_slice %arg3[%add3A_182] : memref<1601536xi32, #tpu.memory_space<hbm>> -> memref<128xi32, #tpu.memory_space<hbm>>
        tpu.wait_dma2 semaphore(%run_scoped3A : memref<!tpu.dma_semaphore, #tpu.memory_space<semaphore_mem>>) src(%dma_wait3A_201 : memref<128xi32, #tpu.memory_space<hbm>>) dst(%arg7 : memref<128xi32, #tpu.memory_space<vmem>>)
        tpu.yield
      }) : () -> ()
      "tpu.region"() ({
        %run_scoped3A = tpu.sem_alloc : memref<!tpu.dma_semaphore, #tpu.memory_space<semaphore_mem>>
        %dma_start3A_198 = tpu.memref_slice %arg4[%add3A_182] : memref<1601536xi32, #tpu.memory_space<hbm>> -> memref<128xi32, #tpu.memory_space<hbm>>
        %dma_start3A_199 = tpu.memref_slice %arg4[%add3A_182] : memref<1601536xi32, #tpu.memory_space<hbm>> -> memref<128xi32, #tpu.memory_space<hbm>>
        tpu.enqueue_dma source(%dma_start3A_199 : memref<128xi32, #tpu.memory_space<hbm>>) target(%arg8 : memref<128xi32, #tpu.memory_space<vmem>>) target_semaphore(%run_scoped3A : memref<!tpu.dma_semaphore, #tpu.memory_space<semaphore_mem>>)
        %dma_wait3A_200 = tpu.memref_slice %arg4[%add3A_182] : memref<1601536xi32, #tpu.memory_space<hbm>> -> memref<128xi32, #tpu.memory_space<hbm>>
        %dma_wait3A_201 = tpu.memref_slice %arg4[%add3A_182] : memref<1601536xi32, #tpu.memory_space<hbm>> -> memref<128xi32, #tpu.memory_space<hbm>>
        tpu.wait_dma2 semaphore(%run_scoped3A : memref<!tpu.dma_semaphore, #tpu.memory_space<semaphore_mem>>) src(%dma_wait3A_201 : memref<128xi32, #tpu.memory_space<hbm>>) dst(%arg8 : memref<128xi32, #tpu.memory_space<vmem>>)
        tpu.yield
      }) : () -> ()
      %scan3A_183 = arith.constant 0 : i32
      %scan3A_184 = arith.constant 0 : i32
      %scan3A_185 = arith.constant 8 : i32
      %scan3A_186 = arith.addi %scan3A_184, %scan3A_185 : i32
      %scan3A_187 = arith.constant 1 : i32
      scf.for %scan3A_198 = %scan3A_184 to %scan3A_186 step %scan3A_187  : i32 {
        %mul3A_199 = arith.constant 16 : i32
        %mul3A_200 = arith.muli %scan3A_198, %mul3A_199 : i32
        %get3A = arith.index_cast %mul3A_200 : i32 to index
        %get3A_201 = tpu.vector_load %arg8[%get3A] {strides = array<i32>} : memref<128xi32, #tpu.memory_space<vmem>>, vector<16xi32>,
        %get3A_202 = vector.shape_cast %get3A_201 : vector<16xi32> to vector<16xi32>
        %ge3A = vector.broadcast %mul3A_111 : i32 to vector<16xi32>
        %ge3A_203 = arith.cmpi sge, %get3A_202, %ge3A : vector<16xi32>
        %add3A_204 = arith.constant 25088 : i32
        %add3A_205 = arith.addi %mul3A_111, %add3A_204 : i32
        %lt3A = vector.broadcast %add3A_205 : i32 to vector<16xi32>
        %lt3A_206 = arith.cmpi slt, %get3A_202, %lt3A : vector<16xi32>
        %and3A = arith.andi %ge3A_203, %lt3A_206 : vector<16xi1>
        %sub3A = vector.broadcast %mul3A_111 : i32 to vector<16xi32>
        %sub3A_207 = arith.subi %get3A_202, %sub3A : vector<16xi32>
        %jit3A = arith.constant 25088 : i32
        %broadcast_in_dim3A_208 = vector.broadcast %jit3A : i32 to vector<16xi32>
        %select_n3A = arith.select %and3A, %sub3A_207, %broadcast_in_dim3A_208 : vector<16xi1>, vector<16xi32>
        %mul3A_209 = arith.constant 16 : i32
        %mul3A_210 = arith.muli %scan3A_198, %mul3A_209 : i32
        %swap3A_211 = arith.index_cast %mul3A_210 : i32 to index
        %swap3A_212 = tpu.vector_load %arg9[%swap3A_211] {strides = array<i32>} : memref<128xi32, #tpu.memory_space<vmem>>, vector<16xi32>,
        %swap3A_213 = vector.shape_cast %swap3A_212 : vector<16xi32> to vector<16xi32>
        %swap3A_214 = vector.shape_cast %select_n3A : vector<16xi32> to vector<16xi32>
        tpu.vector_store %arg9[%swap3A_211], %swap3A_214 {strides = array<i32>} : memref<128xi32, #tpu.memory_space<vmem>>, vector<16xi32>,
      }
      %scan3A_188 = arith.constant 8 : i32
      %dma_start3A_189 = arith.constant 0 : i32
      %dma_start3A_190 = arith.constant 0 : i32
      %dma_start3A_191 = tpu.memref_slice %arg2[%dma_start3A_189, %dma_start3A_190] : memref<100000x64xf32, #tpu.memory_space<hbm>> -> memref<100000x64xf32, #tpu.memory_space<hbm>>
      tpu.enqueue_indirect_dma source(%dma_start3A_191 : memref<100000x64xf32, #tpu.memory_space<hbm>>) target(%arg10 : memref<128x64xf32, #tpu.memory_space<vmem>>) offsets(%arg7 : memref<128xi32, #tpu.memory_space<vmem>>) semaphore(%arg20 : memref<!tpu.dma_semaphore, #tpu.memory_space<semaphore_mem>>)
      %dma_wait3A_192 = arith.constant 0 : i32
      %dma_wait3A_193 = arith.constant 0 : i32
      %dma_wait3A_194 = tpu.memref_slice %arg2[%dma_wait3A_192, %dma_wait3A_193] : memref<100000x64xf32, #tpu.memory_space<hbm>> -> memref<128x64xf32, #tpu.memory_space<hbm>>
      %dma_wait3A_195 = arith.constant 0 : i32
      %dma_wait3A_196 = arith.constant 0 : i32
      %dma_wait3A_197 = tpu.memref_slice %arg2[%dma_wait3A_195, %dma_wait3A_196] : memref<100000x64xf32, #tpu.memory_space<hbm>> -> memref<128x64xf32, #tpu.memory_space<hbm>>
      tpu.wait_dma2 semaphore(%arg21 : memref<!tpu.dma_semaphore, #tpu.memory_space<semaphore_mem>>) src(%dma_wait3A_197 : memref<128x64xf32, #tpu.memory_space<hbm>>) dst(%arg14 : memref<128x64xf32, #tpu.memory_space<vmem>>)
      "tpu.region"() ({
        %run_scoped3A = tpu.sem_alloc : memref<!tpu.dma_semaphore, #tpu.memory_space<semaphore_mem>>
        %dma_start3A_198 = arith.constant 0 : i32
        %dma_start3A_199 = arith.constant 0 : i32
        %dma_start3A_200 = tpu.memref_slice %arg18[%dma_start3A_198, %dma_start3A_199] : memref<25096x64xf32, #tpu.memory_space<vmem_shared>> -> memref<25096x64xf32, #tpu.memory_space<vmem_shared>>
        tpu.enqueue_indirect_dma source(%arg14 : memref<128x64xf32, #tpu.memory_space<vmem>>) target(%dma_start3A_200 : memref<25096x64xf32, #tpu.memory_space<vmem_shared>>) offsets(%arg13 : memref<128xi32, #tpu.memory_space<vmem>>) semaphore(%run_scoped3A : memref<!tpu.dma_semaphore, #tpu.memory_space<semaphore_mem>>) {add = true}
        %dma_wait3A_201 = arith.constant 0 : i32
        %dma_wait3A_202 = arith.constant 0 : i32
        %dma_wait3A_203 = tpu.memref_slice %arg18[%dma_wait3A_201, %dma_wait3A_202] : memref<25096x64xf32, #tpu.memory_space<vmem_shared>> -> memref<25096x64xf32, #tpu.memory_space<vmem_shared>>
        tpu.wait_indirect_dma semaphore(%run_scoped3A : memref<!tpu.dma_semaphore, #tpu.memory_space<semaphore_mem>>) src(%arg14 : memref<128x64xf32, #tpu.memory_space<vmem>>) dst(%dma_wait3A_203 : memref<25096x64xf32, #tpu.memory_space<vmem_shared>>)
        tpu.yield
      }) : () -> ()
      "tpu.region"() ({
        %run_scoped3A = tpu.sem_alloc : memref<!tpu.dma_semaphore, #tpu.memory_space<semaphore_mem>>
        %dma_start3A_198 = arith.constant 0 : i32
        %dma_start3A_199 = tpu.memref_slice %arg19[%dma_start3A_198] : memref<25096xf32, #tpu.memory_space<vmem_shared>> -> memref<25096xf32, #tpu.memory_space<vmem_shared>>
        tpu.enqueue_indirect_dma source(%arg15 : memref<128xf32, #tpu.memory_space<vmem>>) target(%dma_start3A_199 : memref<25096xf32, #tpu.memory_space<vmem_shared>>) offsets(%arg13 : memref<128xi32, #tpu.memory_space<vmem>>) semaphore(%run_scoped3A : memref<!tpu.dma_semaphore, #tpu.memory_space<semaphore_mem>>) {add = true}
        %dma_wait3A_200 = arith.constant 0 : i32
        %dma_wait3A_201 = tpu.memref_slice %arg19[%dma_wait3A_200] : memref<25096xf32, #tpu.memory_space<vmem_shared>> -> memref<25096xf32, #tpu.memory_space<vmem_shared>>
        tpu.wait_indirect_dma semaphore(%run_scoped3A : memref<!tpu.dma_semaphore, #tpu.memory_space<semaphore_mem>>) src(%arg15 : memref<128xf32, #tpu.memory_space<vmem>>) dst(%dma_wait3A_201 : memref<25096xf32, #tpu.memory_space<vmem_shared>>)
        tpu.yield
      }) : () -> ()
    }
    %scan3A_139 = arith.constant 391 : i32
    %dma_wait3A_140 = arith.constant 0 : i32
    %dma_wait3A_141 = arith.constant 0 : i32
    %dma_wait3A_142 = tpu.memref_slice %arg2[%dma_wait3A_140, %dma_wait3A_141] : memref<100000x64xf32, #tpu.memory_space<hbm>> -> memref<128x64xf32, #tpu.memory_space<hbm>>
    %dma_wait3A_143 = arith.constant 0 : i32
    %dma_wait3A_144 = arith.constant 0 : i32
    %dma_wait3A_145 = tpu.memref_slice %arg2[%dma_wait3A_143, %dma_wait3A_144] : memref<100000x64xf32, #tpu.memory_space<hbm>> -> memref<128x64xf32, #tpu.memory_space<hbm>>
    tpu.wait_dma2 semaphore(%arg20 : memref<!tpu.dma_semaphore, #tpu.memory_space<semaphore_mem>>) src(%dma_wait3A_145 : memref<128x64xf32, #tpu.memory_space<hbm>>) dst(%arg10 : memref<128x64xf32, #tpu.memory_space<vmem>>)
    %barrier3A_146 = arith.constant 0 : index
    tpu.barrier barrier_id(%barrier3A_146)
    %add3A_147 = arith.addi %mul3A_111, %mul3A_113 : i32
    "tpu.region"() ({
      %run_scoped3A = tpu.sem_alloc : memref<!tpu.dma_semaphore, #tpu.memory_space<semaphore_mem>>
      %dma_start3A_150 = arith.constant 0 : i32
      %dma_start3A_151 = tpu.memref_slice %arg5[%add3A_147, %dma_start3A_150] : memref<100352x64xf32, #tpu.memory_space<hbm>> -> memref<1568x64xf32, #tpu.memory_space<hbm>>
      %dma_start3A_152 = arith.constant 0 : i32
      %dma_start3A_153 = tpu.memref_slice %arg18[%mul3A_113, %dma_start3A_152] : memref<25096x64xf32, #tpu.memory_space<vmem_shared>> -> memref<1568x64xf32, #tpu.memory_space<vmem_shared>>
      tpu.enqueue_dma source(%dma_start3A_153 : memref<1568x64xf32, #tpu.memory_space<vmem_shared>>) target(%dma_start3A_151 : memref<1568x64xf32, #tpu.memory_space<hbm>>) target_semaphore(%run_scoped3A : memref<!tpu.dma_semaphore, #tpu.memory_space<semaphore_mem>>)
      %dma_wait3A_154 = arith.constant 0 : i32
      %dma_wait3A_155 = tpu.memref_slice %arg5[%add3A_147, %dma_wait3A_154] : memref<100352x64xf32, #tpu.memory_space<hbm>> -> memref<1568x64xf32, #tpu.memory_space<hbm>>
      %dma_wait3A_156 = arith.constant 0 : i32
      %dma_wait3A_157 = tpu.memref_slice %arg18[%mul3A_113, %dma_wait3A_156] : memref<25096x64xf32, #tpu.memory_space<vmem_shared>> -> memref<1568x64xf32, #tpu.memory_space<vmem_shared>>
      tpu.wait_dma2 semaphore(%run_scoped3A : memref<!tpu.dma_semaphore, #tpu.memory_space<semaphore_mem>>) src(%dma_wait3A_157 : memref<1568x64xf32, #tpu.memory_space<vmem_shared>>) dst(%dma_wait3A_155 : memref<1568x64xf32, #tpu.memory_space<hbm>>)
      tpu.yield
    }) : () -> ()
    %add3A_148 = arith.addi %mul3A_111, %mul3A_113 : i32
    "tpu.region"() ({
      %run_scoped3A = tpu.sem_alloc : memref<!tpu.dma_semaphore, #tpu.memory_space<semaphore_mem>>
      %dma_start3A_150 = tpu.memref_slice %arg6[%add3A_148] : memref<100352xf32, #tpu.memory_space<hbm>> -> memref<1568xf32, #tpu.memory_space<hbm>>
      %dma_start3A_151 = tpu.memref_slice %arg19[%mul3A_113] : memref<25096xf32, #tpu.memory_space<vmem_shared>> -> memref<1568xf32, #tpu.memory_space<vmem_shared>>
      tpu.enqueue_dma source(%dma_start3A_151 : memref<1568xf32, #tpu.memory_space<vmem_shared>>) target(%dma_start3A_150 : memref<1568xf32, #tpu.memory_space<hbm>>) target_semaphore(%run_scoped3A : memref<!tpu.dma_semaphore, #tpu.memory_space<semaphore_mem>>)
      %dma_wait3A_152 = tpu.memref_slice %arg6[%add3A_148] : memref<100352xf32, #tpu.memory_space<hbm>> -> memref<1568xf32, #tpu.memory_space<hbm>>
      %dma_wait3A_153 = tpu.memref_slice %arg19[%mul3A_113] : memref<25096xf32, #tpu.memory_space<vmem_shared>> -> memref<1568xf32, #tpu.memory_space<vmem_shared>>
      tpu.wait_dma2 semaphore(%run_scoped3A : memref<!tpu.dma_semaphore, #tpu.memory_space<semaphore_mem>>) src(%dma_wait3A_153 : memref<1568xf32, #tpu.memory_space<vmem_shared>>) dst(%dma_wait3A_152 : memref<1568xf32, #tpu.memory_space<hbm>>)
      tpu.yield
    }) : () -> ()
    %barrier3A_149 = arith.constant 0 : index
    tpu.barrier barrier_id(%barrier3A_149)
    return
  }
}

module attributes {stable_mosaic.version = 14 : i64} {
  func.func @_gcn_body(%arg0: i32, %arg1: memref<1024x64xf32, #tpu.memory_space<vmem>>, %arg2: memref<1024x64xf32, #tpu.memory_space<vmem>>, %arg3: memref<1024x1xf32, #tpu.memory_space<vmem>>, %arg4: memref<64x64xf32, #tpu.memory_space<vmem>>, %arg5: memref<1024x64xf32, #tpu.memory_space<vmem>>) attributes {dimension_semantics = [#tpu.dimension_semantics<arbitrary>], iteration_bounds = array<i64: 98>, scalar_prefetch = 0 : i64, scratch_operands = 0 : i64, tpu.core_type = #tpu.core_type<tc>, window_params = [{transform_indices = @transform_0, window_bounds = array<i64: 1024, 64>}, {transform_indices = @transform_1, window_bounds = array<i64: 1024, 64>}, {transform_indices = @transform_2, window_bounds = array<i64: 1024, 1>}, {pipeline_mode = #tpu.pipeline_mode<synchronous>, transform_indices = @transform_3, window_bounds = array<i64: 64, 64>}, {transform_indices = @transform_4, window_bounds = array<i64: 1024, 64>}]} {
    %get3A = arith.constant 0 : index
    %get3A_0 = arith.constant 0 : index
    %get3A_1 = vector.load %arg3[%get3A, %get3A_0] : memref<1024x1xf32, #tpu.memory_space<vmem>>, vector<1024x1xf32>
    %max3A = arith.constant 1.000000e+00 : f32
    %max3A_2 = vector.broadcast %max3A : f32 to vector<1024x1xf32>
    %max3A_3 = arith.maximumf %get3A_1, %max3A_2 : vector<1024x1xf32>
    %get3A_4 = arith.constant 0 : index
    %get3A_5 = arith.constant 0 : index
    %get3A_6 = vector.load %arg1[%get3A_4, %get3A_5] : memref<1024x64xf32, #tpu.memory_space<vmem>>, vector<1024x64xf32>
    %get3A_7 = arith.constant 0 : index
    %get3A_8 = arith.constant 0 : index
    %get3A_9 = vector.load %arg2[%get3A_7, %get3A_8] : memref<1024x64xf32, #tpu.memory_space<vmem>>, vector<1024x64xf32>
    %div3A = vector.broadcast %max3A_3 : vector<1024x1xf32> to vector<1024x64xf32>
    %div3A_10 = arith.divf %get3A_9, %div3A : vector<1024x64xf32>
    %add3A = arith.addf %get3A_6, %div3A_10 : vector<1024x64xf32>
    %get3A_11 = arith.constant 0 : index
    %get3A_12 = arith.constant 0 : index
    %get3A_13 = vector.load %arg4[%get3A_11, %get3A_12] : memref<64x64xf32, #tpu.memory_space<vmem>>, vector<64x64xf32>
    %dot_general3A = arith.constant dense<0.000000e+00> : vector<1024x64xf32>
    %dot_general3A_14 = tpu.matmul %add3A, %get3A_13, %dot_general3A {dimension_numbers = #tpu.dot_dimension_numbers<[1], [0], [0], [1], [0, 0, 1, 1], [], []>, transpose_lhs_hint = false} : vector<1024x64xf32>, vector<64x64xf32>, vector<1024x64xf32> -> vector<1024x64xf32>
    %tanh3A = math.tanh %dot_general3A_14 : vector<1024x64xf32>
    %swap3A = arith.constant 0 : index
    %swap3A_15 = arith.constant 0 : index
    %swap3A_16 = vector.load %arg5[%swap3A, %swap3A_15] : memref<1024x64xf32, #tpu.memory_space<vmem>>, vector<1024x64xf32>
    tpu.vector_store %arg5[%swap3A, %swap3A_15], %tanh3A {strides = array<i32>} : memref<1024x64xf32, #tpu.memory_space<vmem>>, vector<1024x64xf32>,
    return
  }
  func.func @transform_0(%arg0: i32) -> (i32, i32) {
    %c0_i32 = arith.constant 0 : i32
    %c0_i32_0 = arith.constant 0 : i32
    return %arg0, %c0_i32 : i32, i32
  }
  func.func @transform_1(%arg0: i32) -> (i32, i32) {
    %c0_i32 = arith.constant 0 : i32
    %c0_i32_0 = arith.constant 0 : i32
    return %arg0, %c0_i32 : i32, i32
  }
  func.func @transform_2(%arg0: i32) -> (i32, i32) {
    %c0_i32 = arith.constant 0 : i32
    %c0_i32_0 = arith.constant 0 : i32
    return %arg0, %c0_i32 : i32, i32
  }
  func.func @transform_3(%arg0: i32) -> (i32, i32) {
    %c0_i32 = arith.constant 0 : i32
    %c0_i32_0 = arith.constant 0 : i32
    %c0_i32_1 = arith.constant 0 : i32
    return %c0_i32, %c0_i32_0 : i32, i32
  }
  func.func @transform_4(%arg0: i32) -> (i32, i32) {
    %c0_i32 = arith.constant 0 : i32
    %c0_i32_0 = arith.constant 0 : i32
    return %arg0, %c0_i32 : i32, i32
  }
}

module attributes {stable_mosaic.version = 14 : i64} {
  func.func @_score_body(%arg0: i32, %arg1: memref<2048x64xf32, #tpu.memory_space<vmem>>, %arg2: memref<2048x64xf32, #tpu.memory_space<vmem>>, %arg3: memref<2048x64xf32, #tpu.memory_space<vmem>>, %arg4: memref<2048x1xf32, #tpu.memory_space<vmem>>) attributes {dimension_semantics = [#tpu.dimension_semantics<arbitrary>], iteration_bounds = array<i64: 8>, scalar_prefetch = 0 : i64, scratch_operands = 0 : i64, tpu.core_type = #tpu.core_type<tc>, window_params = [{transform_indices = @transform_0, window_bounds = array<i64: 2048, 64>}, {transform_indices = @transform_1, window_bounds = array<i64: 2048, 64>}, {transform_indices = @transform_2, window_bounds = array<i64: 2048, 64>}, {transform_indices = @transform_3, window_bounds = array<i64: 2048, 1>}]} {
    %get3A = arith.constant 0 : index
    %get3A_0 = arith.constant 0 : index
    %get3A_1 = vector.load %arg1[%get3A, %get3A_0] : memref<2048x64xf32, #tpu.memory_space<vmem>>, vector<2048x64xf32>
    %get3A_2 = arith.constant 0 : index
    %get3A_3 = arith.constant 0 : index
    %get3A_4 = vector.load %arg2[%get3A_2, %get3A_3] : memref<2048x64xf32, #tpu.memory_space<vmem>>, vector<2048x64xf32>
    %sub3A = arith.subf %get3A_1, %get3A_4 : vector<2048x64xf32>
    %integer_pow3A = arith.mulf %sub3A, %sub3A : vector<2048x64xf32>
    %reduce_sum3A = arith.constant dense<0.000000e+00> : vector<2048xf32>
    %reduce_sum3A_5 = vector.multi_reduction <add>, %integer_pow3A, %reduce_sum3A [1] : vector<2048x64xf32> to vector<2048xf32>
    %broadcast_in_dim3A = vector.shape_cast %reduce_sum3A_5 : vector<2048xf32> to vector<2048x1xf32>
    %get3A_6 = arith.constant 0 : index
    %get3A_7 = arith.constant 0 : index
    %get3A_8 = vector.load %arg3[%get3A_6, %get3A_7] : memref<2048x64xf32, #tpu.memory_space<vmem>>, vector<2048x64xf32>
    %sub3A_9 = arith.subf %get3A_1, %get3A_8 : vector<2048x64xf32>
    %integer_pow3A_10 = arith.mulf %sub3A_9, %sub3A_9 : vector<2048x64xf32>
    %reduce_sum3A_11 = arith.constant dense<0.000000e+00> : vector<2048xf32>
    %reduce_sum3A_12 = vector.multi_reduction <add>, %integer_pow3A_10, %reduce_sum3A_11 [1] : vector<2048x64xf32> to vector<2048xf32>
    %broadcast_in_dim3A_13 = vector.shape_cast %reduce_sum3A_12 : vector<2048xf32> to vector<2048x1xf32>
    %sub3A_14 = arith.subf %broadcast_in_dim3A_13, %broadcast_in_dim3A : vector<2048x1xf32>
    %max3A = arith.constant 0.000000e+00 : f32
    %max3A_15 = vector.broadcast %max3A : f32 to vector<2048x1xf32>
    %max3A_16 = arith.maximumf %sub3A_14, %max3A_15 : vector<2048x1xf32>
    %abs3A = math.absf %sub3A_14 : vector<2048x1xf32>
    %neg3A = arith.constant 0.000000e+00 : f32
    %neg3A_17 = vector.broadcast %neg3A : f32 to vector<2048x1xf32>
    %neg3A_18 = arith.subf %neg3A_17, %abs3A : vector<2048x1xf32>
    %exp3A = math.exp %neg3A_18 : vector<2048x1xf32>
    %log1p3A = math.log1p %exp3A : vector<2048x1xf32>
    %add3A = arith.addf %max3A_16, %log1p3A : vector<2048x1xf32>
    %swap3A = arith.constant 0 : index
    %swap3A_19 = arith.constant 0 : index
    %swap3A_20 = vector.load %arg4[%swap3A, %swap3A_19] : memref<2048x1xf32, #tpu.memory_space<vmem>>, vector<2048x1xf32>
    tpu.vector_store %arg4[%swap3A, %swap3A_19], %add3A {strides = array<i32>} : memref<2048x1xf32, #tpu.memory_space<vmem>>, vector<2048x1xf32>,
    return
  }
  func.func @transform_0(%arg0: i32) -> (i32, i32) {
    %c0_i32 = arith.constant 0 : i32
    %c0_i32_0 = arith.constant 0 : i32
    return %arg0, %c0_i32 : i32, i32
  }
  func.func @transform_1(%arg0: i32) -> (i32, i32) {
    %c0_i32 = arith.constant 0 : i32
    %c0_i32_0 = arith.constant 0 : i32
    return %arg0, %c0_i32 : i32, i32
  }
  func.func @transform_2(%arg0: i32) -> (i32, i32) {
    %c0_i32 = arith.constant 0 : i32
    %c0_i32_0 = arith.constant 0 : i32
    return %arg0, %c0_i32 : i32, i32
  }
  func.func @transform_3(%arg0: i32) -> (i32, i32) {
    %c0_i32 = arith.constant 0 : i32
    %c0_i32_0 = arith.constant 0 : i32
    return %arg0, %c0_i32 : i32, i32
  }
}

</mosaic_0001>

<sc_bundles>
// kernel: kernel.6.cloned.1.call-start
scs
__scs_entry_jumppad:
0x0: {  	(pc) =	sbr.rel $0x88, $3  }
0x1: {  	(tag) =	ssettag $0x0;
	lr =	simm.s32 $0x1  }
0x2: {  	[smem:$0x3F9B] =	sst lr;
	_ =	strace $0xD0000000  }
0x3: {  	_ = 	snop  }
0x4: {  	_ = 	snop  }
0x5: {  	_ = 	snop  }
0x6: {  	_ = 	snop  }
0x7: {  	_ = 	snop  }
__scs_overlays_trampoline_lowered:
0x8: {  	[smem:$0x3FAA] =	sst s0  }
0x9: {  	[smem:$0x3FAB] =	sst s1  }
0xa: {  	[smem:$0x3FAC] =	sst s2  }
0xb: {  	[smem:$0x3FAD] =	sst s3  }
0xc: {  	[smem:$0x3FAE] =	sst s4  }
0xd: {  	[smem:$0x3FAF] =	sst s5  }
0xe: {  	[smem:$0x3FB0] =	sst s6  }
0xf: {  	[smem:$0x3FB1] =	sst s7  }
0x10: {  	[smem:$0x3FB2] =	sst s8  }
0x11: {  	[smem:$0x3FB3] =	sst s9;
	s0 =	simm.s32 @!p0 $0x0  }
0x12: {  	s1 =	sld [smem:$0x3F99];
	s0 =	simm.s32 @p0 $0x1  }
0x13: {  	[smem:$0x3FB4] =	sst s0;
	s0 =	simm.s32 @!p1 $0x0  }
0x14: {  	s2 =	sld [smem:$0x3F98];
	s0 =	simm.s32 @p1 $0x1  }
0x15: {  	[smem:$0x3FB5] =	sst s0;
	s0 =	simm.s32 @!p2 $0x0  }
0x16: {  	s3 =	sld [smem:$0x3FDB];
	s0 =	simm.s32 @p2 $0x1  }
0x17: {  	s4 =	simm.s32 $0x1BF5;
	[smem:$0x3FB7] =	sst s0  }
0x18: {  	s0 =	sld [smem:$0x3F9A];
	_ =	swait.ge [sflag:s4], $0x0  }
0x19: {  	s7 =	sld [smem:$0x3F9B]  }
0x1a: {  	s8 =	sadd.s32 $0xFFFFE003, lr  }
0x1b: {  	s9 =	sadd.s32 $0xFFFFFEF7, lr;
	s5 =	simm.s32 $0xFFFFFFFF;
	p2 =	slt.u32 s8, $0xFFFFF086  }
0x1c: {  	p1 =	slt.u32 s9, $0xF7A;
	s5 =	simm.s32 @!p2 $0x0  }
0x1d: {  	s5 =	simm.s32 @p1 $0x1;
	p0 =	seq.s32 s7, s2  }
0x1e: {  	s7 =	smul.u32 @!p0 $0xF7A, s2;
	p2 =	seq.s32 @!p0 s5, $0x0  }
0x1f: {  	s9 =	smul.u32 $0xF7A, s1;
	s8 =	simm.s32 @!p0 $0x1BF5;
	p2 =	por !p2, p0  }
0x20: {  	[sflag:s8] =	ssyncset.s32 @!p0 $0xFFFFF086;
	s6 =	sadd.s32 @!p0 s3, s7;
	s7 =	simm.s32 @!p0 $0x108  }
0x21: {  	s3 =	sadd.s32 s3, s9;
	s6 =	sadd.s32 @!p0 $0x88, s6;
	s7 =	simm.s32 @p2 $0x1082  }
0x22: {  	[simem:s7], [sflag:s8] =	dma.local @!p0 [hbm:s6], $0xF7A  }
0x23: {  	s9 =	sor.u32 $0xD0000000, s2;
	s6 =	simm.s32 $0x108;
	_ =	swait.ge @!p0 [sflag:s8], $0x0  }
0x24: {  	s3 =	sadd.s32 $0x88, s3;
	s6 =	simm.s32 @!p1 $0x1082;
	[sflag:s4] =	ssyncset.s32 $0xFFFFF086  }
0x25: {  	[simem:s6], [sflag:s4] =	dma.local [hbm:s3], $0xF7A  }
0x26: {  	[smem:$0x3F9B] =	sst s1;
	(tag) =	ssettag s2;
	_ =	strace s9  }
0x27: {  	s1 =	sld [smem:$0x3FAB]  }
0x28: {  	s2 =	sld [smem:$0x3FAC]  }
0x29: {  	s4 =	sld [smem:$0x3FAE]  }
0x2a: {  	p0 =	seq.s32 s5, $0x0;
	s5 =	sld [smem:$0x3FAF]  }
0x2b: {  	s6 =	sld [smem:$0x3FB0]  }
0x2c: {  	s7 =	sld [smem:$0x3FB1]  }
0x2d: {  	s3 =	simm.s32 $0x108;
	s8 =	sld [smem:$0x3FB2]  }
0x2e: {  	s3 =	simm.s32 @!p0 $0x1082;
	s9 =	sld [smem:$0x3FB3]  }
0x2f: {  	lr =	sadd.s32 s0, s3;
	s0 =	sld [smem:$0x3FAA]  }
0x30: {  	s3 =	sld [smem:$0x3FAD]  }
0x31: {  	[smem:$0x3FB6] =	sst s10  }
0x32: {  	s10 =	sld [smem:$0x3FB4];
	_ =	sdelay $0x3  }
0x33: {  	p0 =	seq.s32 s10, $0x1;
	s10 =	sld [smem:$0x3FB6];
	_ =	sdelay $0x3  }
0x34: {  	[smem:$0x3FB6] =	sst s10  }
0x35: {  	s10 =	sld [smem:$0x3FB5];
	_ =	sdelay $0x3  }
0x36: {  	p1 =	seq.s32 s10, $0x1;
	s10 =	sld [smem:$0x3FB6];
	_ =	sdelay $0x3  }
0x37: {  	[smem:$0x3FB6] =	sst s10  }
0x38: {  	s10 =	sld [smem:$0x3FB7]  }
0x39: {  	_ = 	snop;
	(pc) =	sbr.ind lr, $3  }
0x3a: {  	_ = 	snop  }
0x3b: {  	_ = 	snop  }
0x3c: {  	p2 =	seq.s32 s10, $0x1;
	s10 =	sld [smem:$0x3FB6]  }
0x3d: {  	_ =	shalt  }
0x3e: {  	_ =	shalt  }
0x3f: {  	_ =	shalt  }
0x40: {  	_ =	shalt  }
0x41: {  	_ =	shalt  }
0x42: {  	_ =	shalt  }
0x43: {  	_ =	shalt  }
0x44: {  	_ =	shalt  }
0x45: {  	_ =	shalt  }
0x46: {  	_ =	shalt  }
0x47: {  	_ =	shalt  }
0x48: {  	_ =	shalt  }
0x49: {  	_ =	shalt  }
0x4a: {  	_ =	shalt  }
0x4b: {  	_ =	shalt  }
0x4c: {  	_ =	shalt  }
0x4d: {  	_ =	shalt  }
0x4e: {  	_ =	shalt  }
0x4f: {  	_ =	shalt  }
0x50: {  	_ =	shalt  }
0x51: {  	_ =	shalt  }
0x52: {  	_ =	shalt  }
0x53: {  	_ =	shalt  }
0x54: {  	_ =	shalt  }
0x55: {  	_ =	shalt  }
0x56: {  	_ =	shalt  }
0x57: {  	_ =	shalt  }
0x58: {  	_ =	shalt  }
0x59: {  	_ =	shalt  }
0x5a: {  	_ =	shalt  }
0x5b: {  	_ =	shalt  }
0x5c: {  	_ =	shalt  }
0x5d: {  	_ =	shalt  }
0x5e: {  	_ =	shalt  }
0x5f: {  	_ =	shalt  }
0x60: {  	_ =	shalt  }
0x61: {  	_ =	shalt  }
0x62: {  	_ =	shalt  }
0x63: {  	_ =	shalt  }
0x64: {  	_ =	shalt  }
0x65: {  	_ =	shalt  }
0x66: {  	_ =	shalt  }
0x67: {  	_ =	shalt  }
0x68: {  	_ =	shalt  }
0x69: {  	_ =	shalt  }
0x6a: {  	_ =	shalt  }
0x6b: {  	_ =	shalt  }
0x6c: {  	_ =	shalt  }
0x6d: {  	_ =	shalt  }
0x6e: {  	_ =	shalt  }
0x6f: {  	_ =	shalt  }
0x70: {  	_ =	shalt  }
0x71: {  	_ =	shalt  }
0x72: {  	_ =	shalt  }
0x73: {  	_ =	shalt  }
0x74: {  	_ =	shalt  }
0x75: {  	_ =	shalt  }
0x76: {  	_ =	shalt  }
0x77: {  	_ =	shalt  }
0x78: {  	_ =	shalt  }
0x79: {  	_ =	shalt  }
0x7a: {  	_ =	shalt  }
0x7b: {  	_ =	shalt  }
0x7c: {  	_ =	shalt  }
0x7d: {  	_ =	shalt  }
0x7e: {  	_ =	shalt  }
0x7f: {  	_ =	shalt  }
0x80: {  	_ =	shalt  }
0x81: {  	_ =	shalt  }
0x82: {  	_ =	shalt  }
0x83: {  	_ =	shalt  }
0x84: {  	_ =	shalt  }
0x85: {  	_ =	shalt  }
0x86: {  	_ =	shalt  }
0x87: {  	_ =	shalt  }
.Lfunc_end0:
.L_simem_size_0:
called_computation_lowered:
.L_overlay_start_0:
0x88: {  	s2 =	sld [smem:$0x3FD9]  }
0x89: {  	s3 =	sld [smem:$0x3FFE];
	_ =	sdelay $0x1  }
0x8a: {  	s1 =	srdreg.scid  }
0x8b: {  	s0 =	sand.u32 $0x1, s1  }
0x8c: {  	s16 =	sshll.u32 s0, $0xA;
	s2 =	sadd.s32 s3, s2  }
0x8d: {  	s2 =	sadd.s32 s2, s16  }
0x8e: {  	[smem:$0x3FC2] =	sst s2  }
0x8f: {  	_ = 	snop  }
0x90: {  	(tm) =	ssettm $0x1  }
0x91: {  	s17 =	sld [smem:$0x3FFB];
	_ =	sdelay $0x3  }
0x92: {  	_ =	strace s17  }
0x93: {  	s2 =	sld [smem:$0x3FFC];
	_ =	sdelay $0x3  }
0x94: {  	_ =	strace s2  }
0x95: {  	s2 =	sld [smem:$0x3FFD];
	_ =	sdelay $0x3  }
0x96: {  	_ =	strace s2  }
0x97: {  	_ =	strace $0x8FFFFFFF  }
0x98: {  	s18 =	sld [smem:$0x3FDB];
	_ =	sdelay $0x1  }
0x99: {  	s19 =	simm.s32 $_scs_section_size  }
0x9a: {  	s4 =	simm.s32 $_size__tile_overlayer_lowered;
	s5 =	simm.s32 $_tile_overlayer_lowered  }
0x9b: {  	s22 =	simm.s32 $0x1BFF;
	s21 =	sshll.u32 s5, $0x1;
	s2 =	sadd.s32 s19, s18  }
0x9c: {  	s6 =	simm.s32 $0x0;
	s20 =	sshll.u32 s4, $0x1;
	s4 =	sadd.s32 s21, s2  }
0x9d: {  	[timem:s6], [sflag:s22] =	dma.local [hbm:s4], s20  }
0x9e: {  	_ =	swait.ge [sflag:s22], s20  }
0x9f: {  	s3 =	ssub.s32 $0x0, s20;
	[sflag:s22] =	ssyncset.done $0x0  }
0xa0: {  	[sflag:s22] =	ssyncadd.s32 s3;
	_ =	sdelay $0x1  }
0xa1: {  	s23 =	simm.s32 $0x1B8B  }
0xa2: {  	_ =	swait.ge [sflag:s23], $0x1  }
0xa3: {  	[sflag:s23] =	ssyncset.done $0x0  }
0xa4: {  	s25 =	simm.s32 $0x1B8E;
	s24 =	sld [smem:$0x3FFE];
	[sflag:s23] =	ssyncadd.s32 $0xFFFFFFFF  }
0xa5: {  	s26 =	simm.s32 $execute0_lowered;
	[smem:$0x3FD2] =	sst s25  }
0xa6: {  	s4 =	sshll.u32 s26, $0x1;
	_ =	strace $0x80000046;
	[dreg:$0x1] =	wrdreg $0xFFFFFFFF  }
0xa7: {  	s28 =	simm.s32 $_size_execute0_lowered;
	s2 =	sadd.s32 s2, s4;
	[dreg:$0x0] =	wrdreg $0x0  }
0xa8: {  	s4 =	sshll.u32 s28, $0x1;
	[dreg:$0x2] =	wrdreg s2  }
0xa9: {  	[dreg:$0x3] =	wrdreg s4  }
0xaa: {  	[dreg:$0x4] =	wrdreg $0xC0  }
0xab: {  	_ =	task [dreg:s6], $0x5FFFF  }
0xac: {  	[dreg:$0x1] =	wrdreg $0xFFFFFFFF  }
0xad: {  	[dreg:$0x0] =	wrdreg $0x60  }
0xae: {  	[dreg:$0x2] =	wrdreg s24  }
0xaf: {  	[dreg:$0x3] =	wrdreg $0x5FF00  }
0xb0: {  	[dreg:$0x4] =	wrdreg $0x1E8100  }
0xb1: {  	[dreg:$0x5] =	wrdreg $0x9  }
0xb2: {  	_ =	task.clear_ibuf [dreg:s6], $0x6FFFF;
	_ =	strace $0x90000046  }
0xb3: {  	s29 =	simm.s32 $0x9;
	_ =	strace $0x80000048  }
0xb4: {  	_ =	swait.ge [sflag:s29], $0x1  }
0xb5: {  	[sflag:s29] =	ssyncadd.s32 $0xFFFFFFFF  }
0xb6: {  	_ =	strace $0x90000048  }
0xb7: {  	_ =	sfence  }
0xb8: {  	s30 =	sld [smem:$0x0];
	_ =	sdelay $0x2  }
0xb9: {  	s31 =	sshll.u32 s1, $0xD;
	s1 =	sshrl.u32 s1, $0x2  }
0xba: {  	s3 =	sand.u32 $0x4000, s31;
	s1 =	sadd.s32 s1, s30  }
0xbb: {  	s0 =	sor.u32 s3, s0;
	s1 =	sshll.u32 s1, $0x11  }
0xbc: {  	s0 =	sor.u32 s1, s0  }
0xbd: {  	s0 =	sadd.s32 $0x8F2B, s0  }
0xbe: {  	[sflag:s0] =	ssyncadd.remote.s32 $0x1  }
0xbf: {  	_ =	sfence.sel $0xFFFF  }
0xc0: {  	[dreg:$0x0] =	wrdreg $0xFFFFFFFF;
	(pc) =	sbr.abs _section_cstart, $3  }
0xc1: {  	[dreg:$0x1] =	wrdreg $0xFFFFFFFF  }
0xc2: {  	_ =	task.clear_ibuf [dreg:s6], $0x2FFFF;
	_ =	strace $0x9FFFFFFF  }
0xc3: {  	(tm) =	ssettm $0x7FFFFFFF  }
tec
execute0_lowered:
.L_overlay_start_1:
0x0: {  	(tag) =	ssettag $0x1  }
0x1: {  	s0 =	rddreg [dreg:$0x0]  }
0x2: {  	s1 =	rddreg [dreg:$0x1]  }
0x3: {  	s2 =	rddreg [dreg:$0x2];
	s3 =	simm.s32 $0x0  }
0x4: {  	s4 =	srdreg.scid;
	s16 =	stileid.u32;
	s28 =	simm.s32 $0x2200  }
0x5: {  	s29 =	simm.s32 $0x2300;
	s5 =	sadd.s32 $0x188400, s0;
	s10 =	smul.u32 $0x18700, s16  }
0x6: {  	s30 =	simm.s32 $0x1;
	s6 =	sadd.s32 $0x27C800, s0;
	s26 =	smul.u32 $0x620, s16  }
0x7: {  	s31 =	simm.s32 $0x100;
	s7 =	sadd.s32 $0x24BA00, s0;
	s17 =	smul.u32 $0x62000, s16  }
0x8: {  	[smem:$0x7FF] =	sst s3;
	s8 =	sadd.s32 $0x2B0800, s0;
	s19 =	smul.u32 $0x1880, s16  }
0x9: {  	s4 =	sand.u32 $0x1, s4;
	s0 =	sadd.s32 $0x2AD600, s0;
	s16 =	smul.u32 $0x30E0, s16  }
0xa: {  	_ =	strace $0x80000047;
	s9 =	ssub.s32 $0x2, s4;
	s4 =	smul.u32 $0xC400, s4  }
0xb: {  	s11 =	sshrl.u32 s9, $0x1;
	s12 =	sshrl.u32 s10, $0x3;
	s10 =	sadd.s32 $0x100, s10  }
0xc: {  	s18 =	sadd.s32 s26, s2;
	s23 =	sshrl.u32 s19, $0x2;
	s24 =	sadd.s32 s16, s7  }
0xd: {  	s9 =	ssub.s32 s9, s11;
	s20 =	sadd.s32 s6, s12;
	s12 =	sadd.s32 s7, s12  }
0xe: {  	s13 =	sadd.s32 $0x6200, s4;
	s14 =	sadd.s32 s26, s4;
	[dreg:$0x8] =	wrdreg s18  }
0xf: {  	s18 =	sadd.s32 s23, s2;
	s25 =	sadd.s32 $0x10, s24;
	s23 =	simm.s32 $0x5F80  }
0x10: {  	s24 =	simm.s32 $0x80;
	[dreg:$0x5] =	wrdreg s12;
	s15 =	sshll.u32 s14, $0x3  }
0x11: {  	s12 =	sshrl.u32 s17, $0x2;
	s14 =	sshrl.u32 s14, $0x3;
	s11 =	sadd.s32 s26, s13  }
0x12: {  	s17 =	sadd.s32 $0xC400, s4;
	s22 =	smax.u32 s9, $0x1;
	[dreg:$0xc] =	wrdreg s25  }
0x13: {  	v0 =	vmov s4;
	s26 =	sadd.s32 s16, s6;
	s25 =	simm.s32 $0x180;
	s4 =	simm.s32 $0x2  }
0x14: {  	v1 =	vmov s13;
	s13 =	simm.s32 $0x0;
	[dreg:$0x4] =	wrdreg s20;
	s15 =	sadd.s32 s8, s15  }
0x15: {  	s12 =	sadd.s32 s12, s1;
	s14 =	sadd.s32 s0, s14;
	[dreg:$0xb] =	wrdreg s22  }
0x16: {  	s21 =	sshll.u32 s11, $0x3;
	s11 =	sshrl.u32 s11, $0x3;
	[dreg:$0x6] =	wrdreg s15  }
0x17: {  	s22 =	simm.s32 $0x3;
	[dreg:$0x7] =	wrdreg s14;
	s8 =	sadd.s32 s8, s21  }
0x18: {  	s0 =	sadd.s32 s0, s11;
	s21 =	simm.s32 $0x4380;
	[dreg:$0x9] =	wrdreg s8  }
0x19: {  	s11 =	simm.s32 $0x2280;
	[dreg:$0xa] =	wrdreg s0;
	s0 =	sadd.s32 $0x10, s26  }
0x1a: {  	v3 =	vimm.f32 $1.000000000e+00;
	v4 =	vimm.f32 $0.0e+00;
	v2 =	vmov s17;
	s26 =	simm.s32 $0x2180;
	[dreg:$0xd] =	wrdreg s0;
	s0 =	simm.s32 $0x4300  }
.LBB2_1:
0x1b: {  	[tilespmem:$0x4300] =	vst v3  }
0x1c: {  	[tilespmem:$0x4310] =	vst v3  }
0x1d: {  	[tilespmem:$0x4320] =	vst v3  }
0x1e: {  	[tilespmem:$0x4330] =	vst v3  }
0x1f: {  	[tilespmem:$0x4340] =	vst v3  }
0x20: {  	[tilespmem:$0x4350] =	vst v3  }
0x21: {  	[tilespmem:$0x4360] =	vst v3  }
0x22: {  	[tilespmem:$0x4370] =	vst v3  }
0x23: {  	[tilespmem:$0x5F80] =	vst v4  }
0x24: {  	[tilespmem:$0x5F90] =	vst v4  }
0x25: {  	[tilespmem:$0x5FA0] =	vst v4  }
0x26: {  	[tilespmem:$0x5FB0] =	vst v4  }
0x27: {  	[tilespmem:$0x5FC0] =	vst v4  }
0x28: {  	[tilespmem:$0x5FD0] =	vst v4  }
0x29: {  	[tilespmem:$0x5FE0] =	vst v4;
	s8 =	simm.s32 $0x0  }
.LBB2_2:
0x2a: {  	p0 =	sne.s32 s8, $0x6F00  }
.Ltmp0:
0x2b: {  	s14 =	sshra.s32 s8, $0x2;
	(pc) =	sbr.rel @p0 .LBB2_2-.Ltmp0, $4  }
0x2c: {  	[tilespmem:s14+$0x4380] =	vst v4  }
0x2d: {  	[tilespmem:s14+$0x4390] =	vst v4  }
0x2e: {  	[tilespmem:s14+$0x43A0] =	vst v4  }
0x2f: {  	s8 =	sadd.s32 $0x100, s8;
	[tilespmem:s14+$0x43B0] =	vst v4  }
0x30: {  	[spmem:s12] =	stream.linear.scatter [tilespmem:s21], [sflag:$0x3], $0x1C00, $0x38;
	[tilespmem:$0x1EE38] =	vst v63  }
0x31: {  	_ =	swait.ge [sflag:s22], $0x1C00  }
0x32: {  	[sflag:s22] =	ssyncset.done $0x0  }
0x33: {  	s8 =	sadd.s32 $0x0, s18;
	[sflag:s22] =	ssyncadd.s32 $0xFFFFE400  }
0x34: {  	[spmem:s8] =	stream.linear.scatter [tilespmem:s23], [sflag:$0x3], $0x70, $0x38;
	[tilespmem:$0x1EE38] =	vst v63  }
0x35: {  	_ =	swait.ge [sflag:s22], $0x70  }
0x36: {  	s14 =	smov.u32 s12;
	s8 =	simm.s32 $0x1C0;
	[sflag:s22] =	ssyncset.done $0x0  }
.LBB2_4:
0x37: {  	p0 =	sne.s32 s8, $0x16C0;
	[sflag:s22] =	ssyncadd.s32 $0xFFFFFF90;
	s14 =	sadd.s32 $0x1C00, s14  }
0x38: {  	[spmem:s14] =	stream.linear.scatter [tilespmem:s21], [sflag:$0x3], $0x1C00, $0x38;
	[tilespmem:$0x1EE38] =	vst v63  }
0x39: {  	s15 =	smov.u32 s8;
	s8 =	sadd.s32 $0x1C0, s8;
	_ =	swait.ge [sflag:s22], $0x1C00  }
.Ltmp1:
0x3a: {  	s15 =	sshra.s32 s15, $0x2;
	[sflag:s22] =	ssyncset.done $0x0;
	(pc) =	sbr.rel @p0 .LBB2_4-.Ltmp1, $4  }
0x3b: {  	s15 =	sadd.s32 s15, s18;
	[sflag:s22] =	ssyncadd.s32 $0xFFFFE400  }
0x3c: {  	[spmem:s15] =	stream.linear.scatter [tilespmem:s23], [sflag:$0x3], $0x70, $0x38;
	[tilespmem:$0x1EE38] =	vst v63  }
0x3d: {  	_ =	swait.ge [sflag:s22], $0x70  }
0x3e: {  	[sflag:s22] =	ssyncset.done $0x0  }
0x3f: {  	[sflag:s22] =	ssyncadd.s32 $0xFFFFFF90  }
0x40: {  	s8 =	simm.s32 $0x0;
	[bflag:$0x0] =	sbarrier.arrive $0xFFFF  }
0x41: {  	[tilespmem:s8], [sflag:$0x3] =	stream.linear.gather [hbm4b:s20+s8], $0x80, $0x38;
	[tilespmem:$0x1EE38] =	vst v63  }
0x42: {  	_ =	swait.ge [sflag:s22], $0x80  }
0x43: {  	[sflag:s22] =	ssyncset.done $0x0  }
0x44: {  	s9 =	rddreg [dreg:$0x5];
	[sflag:s22] =	ssyncadd.s32 $0xFFFFFF80  }
0x45: {  	[tilespmem:s24], [sflag:$0x3] =	stream.linear.gather [hbm4b:s9+s8], $0x80, $0x38;
	[tilespmem:$0x1EE38] =	vst v63  }
0x46: {  	_ =	swait.ge [sflag:s22], $0x80  }
0x47: {  	[sflag:s22] =	ssyncset.done $0x0  }
0x48: {  	[sflag:s22] =	ssyncadd.s32 $0xFFFFFF80  }
0x49: {  	v5 =	vld [tilespmem:$0x80]  }
0x4a: {  	v6 =	vld [tilespmem:$0x90]  }
0x4b: {  	v10 =	vld [tilespmem:$0xD0]  }
0x4c: {  	v7 =	vld [tilespmem:$0xA0]  }
0x4d: {  	v8 =	vld [tilespmem:$0xB0];
	_ =	sdelay $0x1  }
0x4e: {  	v9 =	vld [tilespmem:$0xC0];
	vm0 =	vge.s32 v5, v0;
	vm1 =	vlt.s32 v5, v1;
	v5 =	vsub.s32 v5, v0  }
0x4f: {  	vm2 =	vlt.s32 v6, v1;
	vm3 =	vlt.s32 v10, v1;
	vm0 =	vmand vm0, vm1  }
0x50: {  	vm1 =	vge.s32 v6, v0;
	v6 =	vsub.s32 v6, v0;
	v5 =	vnsel vm0, $0x6200, v5  }
0x51: {  	vm0 =	vmand vm1, vm2;
	vm1 =	vlt.s32 v7, v1;
	vm2 =	vlt.s32 v8, v1  }
0x52: {  	v11 =	vld [tilespmem:$0xE0];
	v6 =	vnsel vm0, $0x6200, v6;
	vm0 =	vge.s32 v7, v0;
	v7 =	vsub.s32 v7, v0  }
0x53: {  	[tilespmem:$0x100] =	vst v5;
	v5 =	vsub.s32 v9, v0;
	vm0 =	vmand vm0, vm1;
	vm1 =	vge.s32 v8, v0  }
0x54: {  	v12 =	vld [tilespmem:$0xF0];
	v8 =	vsub.s32 v8, v0;
	vm1 =	vmand vm1, vm2;
	v7 =	vnsel vm0, $0x6200, v7  }
0x55: {  	vm0 =	vge.s32 v9, v0;
	v8 =	vnsel vm1, $0x6200, v8;
	vm1 =	vlt.s32 v9, v1  }
0x56: {  	[tilespmem:$0x110] =	vst v6;
	v6 =	vsub.s32 v10, v0;
	vm2 =	vge.s32 v10, v0;
	vm0 =	vmand vm0, vm1  }
0x57: {  	[tilespmem:$0x120] =	vst v7;
	vm1 =	vmand vm2, vm3;
	vm2 =	vge.s32 v11, v0;
	vm3 =	vlt.s32 v11, v1  }
0x58: {  	[tilespmem:$0x130] =	vst v8;
	v5 =	vnsel vm0, $0x6200, v5;
	v6 =	vnsel vm1, $0x6200, v6;
	vm0 =	vmand vm2, vm3  }
0x59: {  	vm1 =	vge.s32 v12, v0;
	vm2 =	vlt.s32 v12, v1;
	[tilespmem:$0x140] =	vst v5;
	v5 =	vsub.s32 v11, v0  }
0x5a: {  	[tilespmem:$0x150] =	vst v6;
	v6 =	vsub.s32 v12, v0;
	v5 =	vnsel vm0, $0x6200, v5;
	vm0 =	vmand vm1, vm2  }
0x5b: {  	[tilespmem:$0x160] =	vst v5;
	v5 =	vnsel vm0, $0x6200, v6  }
0x5c: {  	[tilespmem:$0x170] =	vst v5  }
0x5d: {  	[tilespmem:s25], [sflag:$0x1] =	stream.indirect.gather [hbm4b:s5+s24], $0x40, s8, s24, $0xb8;
	[tilespmem:$0x1EE38] =	vst v63  }
0x5e: {  	s16 =	rddreg [dreg:$0xd]  }
0x5f: {  	[tilespmem:s26], [sflag:$0x3] =	stream.linear.gather [hbm4b:s16+s3], $0x80, $0x38;
	[tilespmem:$0x1EE38] =	vst v63  }
0x60: {  	_ =	swait.ge [sflag:s22], $0x80  }
0x61: {  	[sflag:s22] =	ssyncset.done $0x0  }
0x62: {  	s15 =	rddreg [dreg:$0xc];
	[sflag:s22] =	ssyncadd.s32 $0xFFFFFF80  }
0x63: {  	[tilespmem:s28], [sflag:$0x3] =	stream.linear.gather [hbm4b:s15+s3], $0x80, $0x38;
	[tilespmem:$0x1EE38] =	vst v63  }
0x64: {  	_ =	swait.ge [sflag:s22], $0x80  }
0x65: {  	[sflag:s22] =	ssyncset.done $0x0  }
0x66: {  	[sflag:s22] =	ssyncadd.s32 $0xFFFFFF80  }
0x67: {  	v5 =	vld [tilespmem:$0x2270]  }
0x68: {  	v6 =	vld [tilespmem:$0x2260]  }
0x69: {  	v7 =	vld [tilespmem:$0x2240]  }
0x6a: {  	v10 =	vld [tilespmem:$0x2220]  }
0x6b: {  	v8 =	vld [tilespmem:$0x2250];
	_ =	sdelay $0x1  }
0x6c: {  	v9 =	vld [tilespmem:$0x2200];
	vm0 =	vge.s32 v5, v0;
	vm1 =	vlt.s32 v5, v1;
	vm2 =	vge.s32 v6, v0  }
0x6d: {  	v11 =	vld [tilespmem:$0x2230];
	vm3 =	vlt.s32 v6, v1;
	v6 =	vsub.s32 v6, v0;
	v63 =	vsub.s32 v7, v0  }
0x6e: {  	v5 =	vsub.s32 v5, v0;
	vm4 =	vlt.s32 v10, v1;
	vm2 =	vmand vm2, vm3  }
0x6f: {  	vm0 =	vmand vm0, vm1;
	vm1 =	vge.s32 v7, v0;
	vm3 =	vge.s32 v8, v0  }
0x70: {  	v6 =	vnsel vm2, $0x6200, v6;
	vm2 =	vlt.s32 v7, v1;
	v5 =	vnsel vm0, $0x6200, v5  }
0x71: {  	v13 =	vld [tilespmem:$0x2210];
	v7 =	vsub.s32 v9, v0;
	vm0 =	vge.s32 v10, v0;
	vm1 =	vmand vm1, vm2  }
0x72: {  	vm2 =	vlt.s32 v11, v1;
	vm0 =	vmand vm0, vm4;
	vm4 =	vge.s32 v11, v0;
	[tilespmem:$0x22E0] =	vst v6  }
0x73: {  	v6 =	vsub.s32 v10, v0;
	v10 =	vsub.s32 v11, v0;
	[tilespmem:$0x22F0] =	vst v5;
	v5 =	vsub.s32 v8, v0  }
0x74: {  	vm2 =	vmand vm4, vm2;
	vm4 =	vlt.s32 v9, v1;
	v6 =	vnsel vm0, $0x6200, v6  }
0x75: {  	v10 =	vnsel vm2, $0x6200, v10;
	vm2 =	vlt.s32 v8, v1;
	v8 =	vnsel vm1, $0x6200, v63;
	[tilespmem:$0x22A0] =	vst v6  }
0x76: {  	vm1 =	vge.s32 v9, v0;
	[tilespmem:$0x22B0] =	vst v10;
	vm2 =	vmand vm3, vm2;
	vm3 =	vlt.s32 v13, v1  }
0x77: {  	[tilespmem:$0x22C0] =	vst v8;
	vm1 =	vmand vm1, vm4;
	v5 =	vnsel vm2, $0x6200, v5;
	vm2 =	vge.s32 v13, v0  }
0x78: {  	v7 =	vnsel vm1, $0x6200, v7;
	[tilespmem:$0x22D0] =	vst v5;
	v5 =	vsub.s32 v13, v0;
	vm0 =	vmand vm2, vm3  }
0x79: {  	[tilespmem:$0x2280] =	vst v7;
	v5 =	vnsel vm0, $0x6200, v5  }
0x7a: {  	[tilespmem:$0x2290] =	vst v5  }
0x7b: {  	[tilespmem:s29], [sflag:$0x2] =	stream.indirect.gather [hbm4b:s5+s24], $0x40, s26, s24, $0xb8;
	[tilespmem:$0x1EE38] =	vst v63  }
0x7c: {  	_ =	swait.ge [sflag:s30], $0x2000  }
0x7d: {  	[sflag:s30] =	ssyncset.done $0x0  }
0x7e: {  	[sflag:s30] =	ssyncadd.s32 $0xFFFFE000  }
0x7f: {  	[spmem:s1] =	stream.indirect.scatter.add.f32 [tilespmem:s25], [sflag:$0x3], $0x40, s31, s24, $0xb8;
	[tilespmem:$0x1EE38] =	vst v63  }
0x80: {  	p0 =	por $0x1, $0x1;
	_ =	swait.ge [sflag:s22], $0x2000  }
0x81: {  	s8 =	simm.s32 @!p0 $0x30B;
	[sflag:s22] =	ssyncset.done $0x0  }
0x82: {  	s8 =	sshll.u32 s8, $0x7;
	[sflag:s22] =	ssyncadd.s32 $0xFFFFE000  }
0x83: {  	[spmem:s2] =	stream.indirect.scatter.add.f32 [tilespmem:s0], [sflag:$0x3], $0x1, s31, s24, $0xb8;
	[tilespmem:$0x1EE38] =	vst v63  }
0x84: {  	s8 =	sadd.s32 s8, s10;
	_ =	swait.ge [sflag:s22], $0x80  }
0x85: {  	s8 =	sshrl.u32 s8, $0x3;
	[sflag:s22] =	ssyncset.done $0x0  }
0x86: {  	s14 =	sadd.s32 s6, s8;
	[sflag:s22] =	ssyncadd.s32 $0xFFFFFF80  }
0x87: {  	[tilespmem:s3], [sflag:$0x3] =	stream.linear.gather [hbm4b:s14+s3], $0x80, $0x38;
	[tilespmem:$0x1EE38] =	vst v63  }
0x88: {  	_ =	swait.ge [sflag:s22], $0x80  }
0x89: {  	[sflag:s22] =	ssyncset.done $0x0  }
0x8a: {  	s8 =	sadd.s32 s7, s8;
	[sflag:s22] =	ssyncadd.s32 $0xFFFFFF80  }
0x8b: {  	[tilespmem:s24], [sflag:$0x3] =	stream.linear.gather [hbm4b:s8+s3], $0x80, $0x38;
	[tilespmem:$0x1EE38] =	vst v63  }
0x8c: {  	_ =	swait.ge [sflag:s22], $0x80  }
0x8d: {  	[sflag:s22] =	ssyncset.done $0x0  }
0x8e: {  	[sflag:s22] =	ssyncadd.s32 $0xFFFFFF80  }
0x8f: {  	v5 =	vld [tilespmem:$0xB0]  }
0x90: {  	v9 =	vld [tilespmem:$0x90]  }
0x91: {  	v10 =	vld [tilespmem:$0xA0]  }
0x92: {  	v8 =	vld [tilespmem:$0x80]  }
0x93: {  	v7 =	vld [tilespmem:$0xC0]  }
0x94: {  	v6 =	vld [tilespmem:$0xD0];
	vm0 =	vge.s32 v5, v0;
	vm1 =	vlt.s32 v5, v1;
	v5 =	vsub.s32 v5, v0  }
0x95: {  	s14 =	simm.s32 $0x2;
	vm2 =	vge.s32 v9, v0;
	vm3 =	vlt.s32 v9, v1;
	v11 =	vsub.s32 v9, v0;
	v9 =	vld [tilespmem:$0xE0]  }
.LBB2_6:
0x96: {  	p0 =	sne.s32 s14, $0x30C;
	vm4 =	vge.s32 v10, v0;
	vm5 =	vlt.s32 v10, v1;
	v10 =	vsub.s32 v10, v0;
	v12 =	vld [tilespmem:$0xF0];
	s15 =	sadd.s32 $0x20, s15;
	s16 =	sadd.s32 $0x20, s16  }
0x97: {  	vm2 =	vmand vm2, vm3;
	s17 =	smov.u32 s14;
	s14 =	sadd.s32 $0x2, s14;
	v13 =	vsub.s32 v8, v0;
	vm3 =	vmand vm4, vm5  }
0x98: {  	vm4 =	vge.s32 v8, v0;
	v11 =	vnsel vm2, $0x6200, v11;
	v10 =	vnsel vm3, $0x6200, v10  }
0x99: {  	vm2 =	vge.s32 v7, v0;
	vm3 =	vlt.s32 v7, v1;
	v7 =	vsub.s32 v7, v0;
	[tilespmem:$0x110] =	vst v11  }
0x9a: {  	vm5 =	vlt.s32 v8, v1;
	v8 =	vsub.s32 v6, v0;
	[tilespmem:$0x120] =	vst v10;
	vm6 =	vge.s32 v9, v0  }
0x9b: {  	vm7 =	vlt.s32 v9, v1;
	v9 =	vsub.s32 v9, v0;
	vm8 =	vge.s32 v12, v0  }
0x9c: {  	vm0 =	vmand vm0, vm1;
	vm1 =	vmand vm6, vm7;
	v10 =	vsub.s32 v12, v0  }
0x9d: {  	vm6 =	vge.s32 v6, v0;
	v9 =	vnsel vm1, $0x6200, v9;
	vm1 =	vlt.s32 v12, v1  }
0x9e: {  	vm4 =	vmand vm4, vm5;
	vm2 =	vmand vm2, vm3;
	vm3 =	vlt.s32 v6, v1  }
0x9f: {  	v7 =	vnsel vm2, $0x6200, v7;
	v6 =	vnsel vm4, $0x6200, v13;
	vm2 =	vmand vm6, vm3;
	[tilespmem:$0x160] =	vst v9  }
0xa0: {  	v5 =	vnsel vm0, $0x6200, v5;
	vm0 =	vmand vm8, vm1;
	[tilespmem:$0x100] =	vst v6;
	v6 =	vnsel vm2, $0x6200, v8  }
0xa1: {  	[tilespmem:$0x150] =	vst v6;
	v6 =	vnsel vm0, $0x6200, v10  }
0xa2: {  	[tilespmem:$0x170] =	vst v6  }
0xa3: {  	[tilespmem:$0x140] =	vst v7;
	_ =	sdelay $0x1  }
0xa4: {  	[tilespmem:$0x130] =	vst v5  }
0xa5: {  	[tilespmem:s25], [sflag:$0x1] =	stream.indirect.gather [hbm4b:s5+s24], $0x40, s3, s24, $0xb8;
	[tilespmem:$0x1EE38] =	vst v63  }
0xa6: {  	_ =	swait.ge [sflag:s4], $0x2000  }
0xa7: {  	[sflag:s4] =	ssyncset.done $0x0  }
0xa8: {  	[sflag:s4] =	ssyncadd.s32 $0xFFFFE000  }
0xa9: {  	[spmem:s1] =	stream.indirect.scatter.add.f32 [tilespmem:s29], [sflag:$0x3], $0x40, s11, s24, $0xb8;
	[tilespmem:$0x1EE38] =	vst v63  }
0xaa: {  	_ =	swait.ge [sflag:s22], $0x2000  }
0xab: {  	[sflag:s22] =	ssyncset.done $0x0  }
0xac: {  	[sflag:s22] =	ssyncadd.s32 $0xFFFFE000  }
0xad: {  	[spmem:s2] =	stream.indirect.scatter.add.f32 [tilespmem:s0], [sflag:$0x3], $0x1, s11, s24, $0xb8;
	[tilespmem:$0x1EE38] =	vst v63  }
0xae: {  	_ =	swait.ge [sflag:s22], $0x80  }
0xaf: {  	[sflag:s22] =	ssyncset.done $0x0  }
0xb0: {  	[sflag:s22] =	ssyncadd.s32 $0xFFFFFF80  }
0xb1: {  	[tilespmem:s26], [sflag:$0x3] =	stream.linear.gather [hbm4b:s16+s3], $0x80, $0x38;
	[tilespmem:$0x1EE38] =	vst v63  }
0xb2: {  	_ =	swait.ge [sflag:s22], $0x80  }
0xb3: {  	[sflag:s22] =	ssyncset.done $0x0  }
0xb4: {  	[sflag:s22] =	ssyncadd.s32 $0xFFFFFF80  }
0xb5: {  	[tilespmem:s28], [sflag:$0x3] =	stream.linear.gather [hbm4b:s15+s3], $0x80, $0x38;
	[tilespmem:$0x1EE38] =	vst v63  }
0xb6: {  	_ =	swait.ge [sflag:s22], $0x80  }
0xb7: {  	[sflag:s22] =	ssyncset.done $0x0  }
0xb8: {  	[sflag:s22] =	ssyncadd.s32 $0xFFFFFF80  }
0xb9: {  	v5 =	vld [tilespmem:$0x2270]  }
0xba: {  	v6 =	vld [tilespmem:$0x2260]  }
0xbb: {  	v7 =	vld [tilespmem:$0x2240]  }
0xbc: {  	v8 =	vld [tilespmem:$0x2220]  }
0xbd: {  	v9 =	vld [tilespmem:$0x2250]  }
0xbe: {  	v10 =	vld [tilespmem:$0x2200];
	vm0 =	vge.s32 v5, v0;
	vm1 =	vlt.s32 v5, v1  }
0xbf: {  	v11 =	vld [tilespmem:$0x2230];
	vm2 =	vge.s32 v6, v0;
	vm3 =	vlt.s32 v6, v1;
	v6 =	vsub.s32 v6, v0  }
0xc0: {  	vm0 =	vmand vm0, vm1;
	v12 =	vld [tilespmem:$0x2210];
	v13 =	vsub.s32 v7, v0;
	vm2 =	vmand vm2, vm3  }
0xc1: {  	v5 =	vsub.s32 v5, v0;
	vm1 =	vge.s32 v7, v0;
	v6 =	vnsel vm2, $0x6200, v6  }
0xc2: {  	v5 =	vnsel vm0, $0x6200, v5;
	vm2 =	vlt.s32 v7, v1;
	vm3 =	vge.s32 v9, v0;
	[tilespmem:$0x22E0] =	vst v6  }
0xc3: {  	vm0 =	vge.s32 v8, v0;
	vm4 =	vlt.s32 v8, v1;
	v6 =	vsub.s32 v10, v0;
	[tilespmem:$0x22F0] =	vst v5  }
0xc4: {  	vm1 =	vmand vm1, vm2;
	v5 =	vsub.s32 v8, v0;
	vm5 =	vlt.s32 v11, v1  }
0xc5: {  	vm0 =	vmand vm0, vm4;
	v7 =	vsub.s32 v9, v0;
	vm2 =	vge.s32 v11, v0  }
0xc6: {  	v8 =	vsub.s32 v11, v0;
	v11 =	vnsel vm1, $0x6200, v13;
	vm2 =	vmand vm2, vm5  }
0xc7: {  	vm1 =	vlt.s32 v9, v1;
	v13 =	vsub.s32 v12, v0;
	v8 =	vnsel vm2, $0x6200, v8  }
0xc8: {  	vm4 =	vlt.s32 v12, v1;
	vm1 =	vmand vm3, vm1;
	vm2 =	vge.s32 v10, v0;
	[tilespmem:$0x22B0] =	vst v8  }
0xc9: {  	vm3 =	vlt.s32 v10, v1;
	vm5 =	vge.s32 v12, v0;
	v7 =	vnsel vm1, $0x6200, v7;
	[tilespmem:$0x22C0] =	vst v11  }
0xca: {  	v5 =	vnsel vm0, $0x6200, v5;
	vm1 =	vmand vm2, vm3;
	vm2 =	vmand vm5, vm4;
	[tilespmem:$0x22D0] =	vst v7  }
0xcb: {  	v6 =	vnsel vm1, $0x6200, v6;
	v7 =	vnsel vm2, $0x6200, v13;
	[tilespmem:$0x22A0] =	vst v5  }
0xcc: {  	[tilespmem:$0x2280] =	vst v6  }
0xcd: {  	[tilespmem:$0x2290] =	vst v7  }
0xce: {  	[tilespmem:s29], [sflag:$0x2] =	stream.indirect.gather [hbm4b:s5+s24], $0x40, s26, s24, $0xb8;
	[tilespmem:$0x1EE38] =	vst v63  }
0xcf: {  	_ =	swait.ge [sflag:s30], $0x2000  }
0xd0: {  	[sflag:s30] =	ssyncset.done $0x0  }
0xd1: {  	[sflag:s30] =	ssyncadd.s32 $0xFFFFE000  }
0xd2: {  	[spmem:s1] =	stream.indirect.scatter.add.f32 [tilespmem:s25], [sflag:$0x3], $0x40, s31, s24, $0xb8;
	[tilespmem:$0x1EE38] =	vst v63  }
0xd3: {  	_ =	swait.ge [sflag:s22], $0x2000  }
0xd4: {  	p1 =	slt.s32 s17, $0x30B;
	[sflag:s22] =	ssyncset.done $0x0  }
0xd5: {  	s17 =	simm.s32 @!p1 $0x30B;
	[sflag:s22] =	ssyncadd.s32 $0xFFFFE000  }
0xd6: {  	[spmem:s2] =	stream.indirect.scatter.add.f32 [tilespmem:s0], [sflag:$0x3], $0x1, s31, s24, $0xb8;
	[tilespmem:$0x1EE38] =	vst v63  }
0xd7: {  	s8 =	sshll.u32 s17, $0x7;
	_ =	swait.ge [sflag:s22], $0x80  }
0xd8: {  	s8 =	sadd.s32 s8, s10;
	[sflag:s22] =	ssyncset.done $0x0  }
0xd9: {  	s8 =	sshrl.u32 s8, $0x3;
	[sflag:s22] =	ssyncadd.s32 $0xFFFFFF80  }
0xda: {  	s17 =	sadd.s32 s6, s8  }
0xdb: {  	[tilespmem:s3], [sflag:$0x3] =	stream.linear.gather [hbm4b:s17+s3], $0x80, $0x38;
	[tilespmem:$0x1EE38] =	vst v63  }
0xdc: {  	_ =	swait.ge [sflag:s22], $0x80  }
0xdd: {  	[sflag:s22] =	ssyncset.done $0x0  }
0xde: {  	s8 =	sadd.s32 s7, s8;
	[sflag:s22] =	ssyncadd.s32 $0xFFFFFF80  }
0xdf: {  	[tilespmem:s24], [sflag:$0x3] =	stream.linear.gather [hbm4b:s8+s3], $0x80, $0x38;
	[tilespmem:$0x1EE38] =	vst v63  }
0xe0: {  	_ =	swait.ge [sflag:s22], $0x80  }
0xe1: {  	[sflag:s22] =	ssyncset.done $0x0  }
0xe2: {  	[sflag:s22] =	ssyncadd.s32 $0xFFFFFF80  }
0xe3: {  	v5 =	vld [tilespmem:$0xB0]  }
0xe4: {  	v9 =	vld [tilespmem:$0x90]  }
.Ltmp2:
0xe5: {  	v10 =	vld [tilespmem:$0xA0];
	(pc) =	sbr.rel @p0 .LBB2_6-.Ltmp2, $4  }
0xe6: {  	v8 =	vld [tilespmem:$0x80]  }
0xe7: {  	v7 =	vld [tilespmem:$0xC0]  }
0xe8: {  	vm0 =	vge.s32 v5, v0;
	vm1 =	vlt.s32 v5, v1;
	v5 =	vsub.s32 v5, v0;
	v6 =	vld [tilespmem:$0xD0]  }
0xe9: {  	vm2 =	vge.s32 v9, v0;
	vm3 =	vlt.s32 v9, v1;
	v11 =	vsub.s32 v9, v0;
	v9 =	vld [tilespmem:$0xE0]  }
0xea: {  	vm4 =	vge.s32 v10, v0;
	vm5 =	vlt.s32 v10, v1;
	v60 =	vsub.s32 v10, v0  }
0xeb: {  	vm2 =	vmand vm2, vm3;
	vm0 =	vmand vm0, vm1;
	v13 =	vsub.s32 v8, v0  }
0xec: {  	vm13 =	vmand vm4, vm5;
	vm14 =	vge.s32 v8, v0;
	v11 =	vnsel vm2, $0x6200, v11  }
0xed: {  	v12 =	vld [tilespmem:$0xF0];
	vm15 =	vlt.s32 v8, v1;
	v5 =	vnsel vm0, $0x6200, v5;
	v10 =	vnsel vm13, $0x6200, v60  }
0xee: {  	vm2 =	vge.s32 v7, v0;
	vm3 =	vlt.s32 v7, v1;
	vm4 =	vmand vm14, vm15  }
0xef: {  	[tilespmem:$0x110] =	vst v11;
	v7 =	vsub.s32 v7, v0;
	v61 =	vsub.s32 v6, v0;
	vm11 =	vge.s32 v6, v0  }
0xf0: {  	[tilespmem:$0x130] =	vst v5;
	vm12 =	vlt.s32 v6, v1;
	v6 =	vnsel vm4, $0x6200, v13;
	vm2 =	vmand vm2, vm3  }
0xf1: {  	[tilespmem:$0x120] =	vst v10;
	vm6 =	vge.s32 v9, v0;
	vm7 =	vlt.s32 v9, v1;
	v62 =	vsub.s32 v9, v0  }
0xf2: {  	vm14 =	vmand vm11, vm12;
	[tilespmem:$0x100] =	vst v6;
	v7 =	vnsel vm2, $0x6200, v7;
	vm8 =	vge.s32 v12, v0  }
0xf3: {  	vm6 =	vmand vm6, vm7;
	vm13 =	vlt.s32 v12, v1;
	v6 =	vnsel vm14, $0x6200, v61;
	[tilespmem:$0x140] =	vst v7  }
0xf4: {  	v63 =	vsub.s32 v12, v0;
	v9 =	vnsel vm6, $0x6200, v62;
	vm15 =	vmand vm8, vm13;
	[tilespmem:$0x150] =	vst v6  }
0xf5: {  	[tilespmem:$0x160] =	vst v9;
	v6 =	vnsel vm15, $0x6200, v63  }
0xf6: {  	[tilespmem:$0x170] =	vst v6  }
0xf7: {  	[tilespmem:s25], [sflag:$0x1] =	stream.indirect.gather [hbm4b:s5+s24], $0x40, s3, s24, $0xb8;
	[tilespmem:$0x1EE38] =	vst v63  }
0xf8: {  	_ =	swait.ge [sflag:s4], $0x2000  }
0xf9: {  	[sflag:s4] =	ssyncset.done $0x0  }
0xfa: {  	[sflag:s4] =	ssyncadd.s32 $0xFFFFE000  }
0xfb: {  	[spmem:s1] =	stream.indirect.scatter.add.f32 [tilespmem:s29], [sflag:$0x3], $0x40, s11, s24, $0xb8;
	[tilespmem:$0x1EE38] =	vst v63  }
0xfc: {  	_ =	swait.ge [sflag:s22], $0x2000  }
0xfd: {  	[sflag:s22] =	ssyncset.done $0x0  }
0xfe: {  	[sflag:s22] =	ssyncadd.s32 $0xFFFFE000  }
0xff: {  	[spmem:s2] =	stream.indirect.scatter.add.f32 [tilespmem:s0], [sflag:$0x3], $0x1, s11, s24, $0xb8;
	[tilespmem:$0x1EE38] =	vst v63  }
0x100: {  	_ =	swait.ge [sflag:s22], $0x80  }
0x101: {  	[sflag:s22] =	ssyncset.done $0x0  }
0x102: {  	[sflag:s22] =	ssyncadd.s32 $0xFFFFFF80  }
0x103: {  	_ =	swait.ge [sflag:s30], $0x2000  }
0x104: {  	[sflag:s30] =	ssyncset.done $0x0  }
0x105: {  	s8 =	stileid.u32;
	[sflag:s30] =	ssyncadd.s32 $0xFFFFE000  }
0x106: {  	s8 =	sshll.u32 s8, $0x6;
	[bflag:$0x0] =	sbarrier.arrive $0xFFFF  }
0x107: {  	s15 =	sshrl.u32 s12, $0x3;
	s14 =	sor.u32 $0x1C03, s8;
	s9 =	rddreg [dreg:$0x6]  }
0x108: {  	[hbm:s9], [sflag:s14] =	dma.local [spmem:s15], $0x3100  }
0x109: {  	_ =	swait.ge [sflag:s22], $0x3100  }
0x10a: {  	[sflag:s22] =	ssyncset.done $0x0;
	s16 =	rddreg [dreg:$0x8]  }
0x10b: {  	s17 =	rddreg [dreg:$0x7];
	[sflag:s22] =	ssyncadd.s32 $0xFFFFCF00;
	s16 =	sshrl.u32 s16, $0x3  }
0x10c: {  	[hbm:s17], [sflag:s14] =	dma.local [spmem:s16], $0xC4  }
0x10d: {  	_ =	swait.ge [sflag:s22], $0xC4  }
0x10e: {  	[sflag:s22] =	ssyncset.done $0x0  }
0x10f: {  	[sflag:s22] =	ssyncadd.s32 $0xFFFFFF3C  }
0x110: {  	[bflag:$0x0] =	sbarrier.arrive $0xFFFF  }
0x111: {  	[spmem:s12] =	stream.linear.scatter [tilespmem:s21], [sflag:$0x3], $0x1C00, $0x38;
	[tilespmem:$0x1EE38] =	vst v63  }
0x112: {  	_ =	swait.ge [sflag:s22], $0x1C00  }
0x113: {  	[sflag:s22] =	ssyncset.done $0x0  }
0x114: {  	s19 =	sadd.s32 $0x0, s18;
	[sflag:s22] =	ssyncadd.s32 $0xFFFFE400  }
0x115: {  	[spmem:s19] =	stream.linear.scatter [tilespmem:s23], [sflag:$0x3], $0x70, $0x38;
	[tilespmem:$0x1EE38] =	vst v63  }
0x116: {  	_ =	swait.ge [sflag:s22], $0x70  }
0x117: {  	s8 =	simm.s32 $0x1C0;
	s17 =	smov.u32 s12;
	[sflag:s22] =	ssyncset.done $0x0  }
.LBB2_8:
0x118: {  	p0 =	sne.s32 s8, $0x16C0;
	[sflag:s22] =	ssyncadd.s32 $0xFFFFFF90;
	s17 =	sadd.s32 $0x1C00, s17  }
0x119: {  	[spmem:s17] =	stream.linear.scatter [tilespmem:s21], [sflag:$0x3], $0x1C00, $0x38;
	[tilespmem:$0x1EE38] =	vst v63  }
0x11a: {  	s19 =	smov.u32 s8;
	s8 =	sadd.s32 $0x1C0, s8;
	_ =	swait.ge [sflag:s22], $0x1C00  }
.Ltmp3:
0x11b: {  	s19 =	sshra.s32 s19, $0x2;
	[sflag:s22] =	ssyncset.done $0x0;
	(pc) =	sbr.rel @p0 .LBB2_8-.Ltmp3, $4  }
0x11c: {  	s19 =	sadd.s32 s19, s18;
	[sflag:s22] =	ssyncadd.s32 $0xFFFFE400  }
0x11d: {  	[spmem:s19] =	stream.linear.scatter [tilespmem:s23], [sflag:$0x3], $0x70, $0x38;
	[tilespmem:$0x1EE38] =	vst v63  }
0x11e: {  	_ =	swait.ge [sflag:s22], $0x70  }
0x11f: {  	[sflag:s22] =	ssyncset.done $0x0  }
0x120: {  	[sflag:s22] =	ssyncadd.s32 $0xFFFFFF90  }
0x121: {  	s8 =	simm.s32 $0x0;
	[bflag:$0x0] =	sbarrier.arrive $0xFFFF  }
0x122: {  	[tilespmem:s8], [sflag:$0x3] =	stream.linear.gather [hbm4b:s20+s8], $0x80, $0x38;
	[tilespmem:$0x1EE38] =	vst v63  }
0x123: {  	_ =	swait.ge [sflag:s22], $0x80  }
0x124: {  	[sflag:s22] =	ssyncset.done $0x0  }
0x125: {  	s9 =	rddreg [dreg:$0x5];
	[sflag:s22] =	ssyncadd.s32 $0xFFFFFF80  }
0x126: {  	[tilespmem:s24], [sflag:$0x3] =	stream.linear.gather [hbm4b:s9+s8], $0x80, $0x38;
	[tilespmem:$0x1EE38] =	vst v63  }
0x127: {  	_ =	swait.ge [sflag:s22], $0x80  }
0x128: {  	[sflag:s22] =	ssyncset.done $0x0  }
0x129: {  	[sflag:s22] =	ssyncadd.s32 $0xFFFFFF80  }
0x12a: {  	v5 =	vld [tilespmem:$0x80]  }
0x12b: {  	v6 =	vld [tilespmem:$0x90]  }
0x12c: {  	v10 =	vld [tilespmem:$0xD0]  }
0x12d: {  	v7 =	vld [tilespmem:$0xA0]  }
0x12e: {  	v8 =	vld [tilespmem:$0xB0];
	_ =	sdelay $0x1  }
0x12f: {  	v9 =	vld [tilespmem:$0xC0];
	vm0 =	vge.s32 v5, v1;
	vm1 =	vlt.s32 v5, v2;
	v5 =	vsub.s32 v5, v1  }
0x130: {  	vm2 =	vlt.s32 v6, v2;
	vm3 =	vlt.s32 v10, v2;
	vm0 =	vmand vm0, vm1  }
0x131: {  	vm1 =	vge.s32 v6, v1;
	v6 =	vsub.s32 v6, v1;
	v5 =	vnsel vm0, $0x6200, v5  }
0x132: {  	vm0 =	vmand vm1, vm2;
	vm1 =	vlt.s32 v7, v2;
	vm2 =	vlt.s32 v8, v2  }
0x133: {  	v11 =	vld [tilespmem:$0xE0];
	v6 =	vnsel vm0, $0x6200, v6;
	vm0 =	vge.s32 v7, v1;
	v7 =	vsub.s32 v7, v1  }
0x134: {  	[tilespmem:$0x100] =	vst v5;
	v5 =	vsub.s32 v9, v1;
	vm0 =	vmand vm0, vm1;
	vm1 =	vge.s32 v8, v1  }
0x135: {  	v12 =	vld [tilespmem:$0xF0];
	v8 =	vsub.s32 v8, v1;
	vm1 =	vmand vm1, vm2;
	v7 =	vnsel vm0, $0x6200, v7  }
0x136: {  	vm0 =	vge.s32 v9, v1;
	v8 =	vnsel vm1, $0x6200, v8;
	vm1 =	vlt.s32 v9, v2  }
0x137: {  	[tilespmem:$0x110] =	vst v6;
	v6 =	vsub.s32 v10, v1;
	vm2 =	vge.s32 v10, v1;
	vm0 =	vmand vm0, vm1  }
0x138: {  	[tilespmem:$0x120] =	vst v7;
	vm1 =	vmand vm2, vm3;
	vm2 =	vge.s32 v11, v1;
	vm3 =	vlt.s32 v11, v2  }
0x139: {  	[tilespmem:$0x130] =	vst v8;
	v5 =	vnsel vm0, $0x6200, v5;
	v6 =	vnsel vm1, $0x6200, v6;
	vm0 =	vmand vm2, vm3  }
0x13a: {  	vm1 =	vge.s32 v12, v1;
	vm2 =	vlt.s32 v12, v2;
	[tilespmem:$0x140] =	vst v5;
	v5 =	vsub.s32 v11, v1  }
0x13b: {  	[tilespmem:$0x150] =	vst v6;
	v6 =	vsub.s32 v12, v1;
	v5 =	vnsel vm0, $0x6200, v5;
	vm0 =	vmand vm1, vm2  }
0x13c: {  	[tilespmem:$0x160] =	vst v5;
	v5 =	vnsel vm0, $0x6200, v6  }
0x13d: {  	[tilespmem:$0x170] =	vst v5  }
0x13e: {  	[tilespmem:s25], [sflag:$0x1] =	stream.indirect.gather [hbm4b:s5+s24], $0x40, s8, s24, $0xb8;
	[tilespmem:$0x1EE38] =	vst v63  }
0x13f: {  	s20 =	rddreg [dreg:$0xd]  }
0x140: {  	[tilespmem:s26], [sflag:$0x3] =	stream.linear.gather [hbm4b:s20+s3], $0x80, $0x38;
	[tilespmem:$0x1EE38] =	vst v63  }
0x141: {  	_ =	swait.ge [sflag:s22], $0x80  }
0x142: {  	[sflag:s22] =	ssyncset.done $0x0  }
0x143: {  	s19 =	rddreg [dreg:$0xc];
	[sflag:s22] =	ssyncadd.s32 $0xFFFFFF80  }
0x144: {  	[tilespmem:s28], [sflag:$0x3] =	stream.linear.gather [hbm4b:s19+s3], $0x80, $0x38;
	[tilespmem:$0x1EE38] =	vst v63  }
0x145: {  	_ =	swait.ge [sflag:s22], $0x80  }
0x146: {  	[sflag:s22] =	ssyncset.done $0x0  }
0x147: {  	[sflag:s22] =	ssyncadd.s32 $0xFFFFFF80  }
0x148: {  	v5 =	vld [tilespmem:$0x2270]  }
0x149: {  	v6 =	vld [tilespmem:$0x2260]  }
0x14a: {  	v7 =	vld [tilespmem:$0x2240]  }
0x14b: {  	v10 =	vld [tilespmem:$0x2220]  }
0x14c: {  	v8 =	vld [tilespmem:$0x2250];
	_ =	sdelay $0x1  }
0x14d: {  	v9 =	vld [tilespmem:$0x2200];
	vm0 =	vge.s32 v5, v1;
	vm1 =	vlt.s32 v5, v2;
	vm2 =	vge.s32 v6, v1  }
0x14e: {  	v11 =	vld [tilespmem:$0x2230];
	vm3 =	vlt.s32 v6, v2;
	v6 =	vsub.s32 v6, v1;
	v63 =	vsub.s32 v7, v1  }
0x14f: {  	v5 =	vsub.s32 v5, v1;
	vm4 =	vlt.s32 v10, v2;
	vm2 =	vmand vm2, vm3  }
0x150: {  	vm0 =	vmand vm0, vm1;
	vm1 =	vge.s32 v7, v1;
	vm3 =	vge.s32 v8, v1  }
0x151: {  	v6 =	vnsel vm2, $0x6200, v6;
	vm2 =	vlt.s32 v7, v2;
	v5 =	vnsel vm0, $0x6200, v5  }
0x152: {  	v13 =	vld [tilespmem:$0x2210];
	v7 =	vsub.s32 v9, v1;
	vm0 =	vge.s32 v10, v1;
	vm1 =	vmand vm1, vm2  }
0x153: {  	vm2 =	vlt.s32 v11, v2;
	vm0 =	vmand vm0, vm4;
	vm4 =	vge.s32 v11, v1;
	[tilespmem:$0x22E0] =	vst v6  }
0x154: {  	v6 =	vsub.s32 v10, v1;
	v10 =	vsub.s32 v11, v1;
	[tilespmem:$0x22F0] =	vst v5;
	v5 =	vsub.s32 v8, v1  }
0x155: {  	vm2 =	vmand vm4, vm2;
	vm4 =	vlt.s32 v9, v2;
	v6 =	vnsel vm0, $0x6200, v6  }
0x156: {  	v10 =	vnsel vm2, $0x6200, v10;
	vm2 =	vlt.s32 v8, v2;
	v8 =	vnsel vm1, $0x6200, v63;
	[tilespmem:$0x22A0] =	vst v6  }
0x157: {  	vm1 =	vge.s32 v9, v1;
	[tilespmem:$0x22B0] =	vst v10;
	vm2 =	vmand vm3, vm2;
	vm3 =	vlt.s32 v13, v2  }
0x158: {  	[tilespmem:$0x22C0] =	vst v8;
	vm1 =	vmand vm1, vm4;
	v5 =	vnsel vm2, $0x6200, v5;
	vm2 =	vge.s32 v13, v1  }
0x159: {  	v7 =	vnsel vm1, $0x6200, v7;
	[tilespmem:$0x22D0] =	vst v5;
	v5 =	vsub.s32 v13, v1;
	vm0 =	vmand vm2, vm3  }
0x15a: {  	[tilespmem:$0x2280] =	vst v7;
	v5 =	vnsel vm0, $0x6200, v5  }
0x15b: {  	[tilespmem:$0x2290] =	vst v5  }
0x15c: {  	[tilespmem:s29], [sflag:$0x2] =	stream.indirect.gather [hbm4b:s5+s24], $0x40, s26, s24, $0xb8;
	[tilespmem:$0x1EE38] =	vst v63  }
0x15d: {  	_ =	swait.ge [sflag:s30], $0x2000  }
0x15e: {  	[sflag:s30] =	ssyncset.done $0x0  }
0x15f: {  	[sflag:s30] =	ssyncadd.s32 $0xFFFFE000  }
0x160: {  	[spmem:s1] =	stream.indirect.scatter.add.f32 [tilespmem:s25], [sflag:$0x3], $0x40, s31, s24, $0xb8;
	[tilespmem:$0x1EE38] =	vst v63  }
0x161: {  	p0 =	por $0x1, $0x1;
	_ =	swait.ge [sflag:s22], $0x2000  }
0x162: {  	s8 =	simm.s32 @!p0 $0x30B;
	[sflag:s22] =	ssyncset.done $0x0  }
0x163: {  	s8 =	sshll.u32 s8, $0x7;
	[sflag:s22] =	ssyncadd.s32 $0xFFFFE000  }
0x164: {  	[spmem:s2] =	stream.indirect.scatter.add.f32 [tilespmem:s0], [sflag:$0x3], $0x1, s31, s24, $0xb8;
	[tilespmem:$0x1EE38] =	vst v63  }
0x165: {  	s8 =	sadd.s32 s8, s10;
	_ =	swait.ge [sflag:s22], $0x80  }
0x166: {  	s8 =	sshrl.u32 s8, $0x3;
	[sflag:s22] =	ssyncset.done $0x0  }
0x167: {  	s17 =	sadd.s32 s6, s8;
	[sflag:s22] =	ssyncadd.s32 $0xFFFFFF80  }
0x168: {  	[tilespmem:s3], [sflag:$0x3] =	stream.linear.gather [hbm4b:s17+s3], $0x80, $0x38;
	[tilespmem:$0x1EE38] =	vst v63  }
0x169: {  	_ =	swait.ge [sflag:s22], $0x80  }
0x16a: {  	[sflag:s22] =	ssyncset.done $0x0  }
0x16b: {  	s8 =	sadd.s32 s7, s8;
	[sflag:s22] =	ssyncadd.s32 $0xFFFFFF80  }
0x16c: {  	[tilespmem:s24], [sflag:$0x3] =	stream.linear.gather [hbm4b:s8+s3], $0x80, $0x38;
	[tilespmem:$0x1EE38] =	vst v63  }
0x16d: {  	_ =	swait.ge [sflag:s22], $0x80  }
0x16e: {  	[sflag:s22] =	ssyncset.done $0x0  }
0x16f: {  	[sflag:s22] =	ssyncadd.s32 $0xFFFFFF80  }
0x170: {  	v5 =	vld [tilespmem:$0xB0]  }
0x171: {  	v9 =	vld [tilespmem:$0x90]  }
0x172: {  	v10 =	vld [tilespmem:$0xA0]  }
0x173: {  	v8 =	vld [tilespmem:$0x80]  }
0x174: {  	v7 =	vld [tilespmem:$0xC0]  }
0x175: {  	v6 =	vld [tilespmem:$0xD0];
	vm0 =	vge.s32 v5, v1;
	vm1 =	vlt.s32 v5, v2;
	v5 =	vsub.s32 v5, v1  }
0x176: {  	s17 =	simm.s32 $0x2;
	vm2 =	vge.s32 v9, v1;
	vm3 =	vlt.s32 v9, v2;
	v11 =	vsub.s32 v9, v1;
	v9 =	vld [tilespmem:$0xE0]  }
.LBB2_10:
0x177: {  	p0 =	sne.s32 s17, $0x30C;
	vm4 =	vge.s32 v10, v1;
	vm5 =	vlt.s32 v10, v2;
	v10 =	vsub.s32 v10, v1;
	v12 =	vld [tilespmem:$0xF0];
	s19 =	sadd.s32 $0x20, s19;
	s20 =	sadd.s32 $0x20, s20  }
0x178: {  	vm2 =	vmand vm2, vm3;
	s8 =	smov.u32 s17;
	s17 =	sadd.s32 $0x2, s17;
	v13 =	vsub.s32 v8, v1;
	vm3 =	vmand vm4, vm5  }
0x179: {  	vm4 =	vge.s32 v8, v1;
	v11 =	vnsel vm2, $0x6200, v11;
	v10 =	vnsel vm3, $0x6200, v10  }
0x17a: {  	vm2 =	vge.s32 v7, v1;
	vm3 =	vlt.s32 v7, v2;
	v7 =	vsub.s32 v7, v1;
	[tilespmem:$0x110] =	vst v11  }
0x17b: {  	vm5 =	vlt.s32 v8, v2;
	v8 =	vsub.s32 v6, v1;
	[tilespmem:$0x120] =	vst v10;
	vm6 =	vge.s32 v9, v1  }
0x17c: {  	vm7 =	vlt.s32 v9, v2;
	v9 =	vsub.s32 v9, v1;
	vm8 =	vge.s32 v12, v1  }
0x17d: {  	vm0 =	vmand vm0, vm1;
	vm1 =	vmand vm6, vm7;
	v10 =	vsub.s32 v12, v1  }
0x17e: {  	vm6 =	vge.s32 v6, v1;
	v9 =	vnsel vm1, $0x6200, v9;
	vm1 =	vlt.s32 v12, v2  }
0x17f: {  	vm4 =	vmand vm4, vm5;
	vm2 =	vmand vm2, vm3;
	vm3 =	vlt.s32 v6, v2  }
0x180: {  	v7 =	vnsel vm2, $0x6200, v7;
	v6 =	vnsel vm4, $0x6200, v13;
	vm2 =	vmand vm6, vm3;
	[tilespmem:$0x160] =	vst v9  }
0x181: {  	v5 =	vnsel vm0, $0x6200, v5;
	vm0 =	vmand vm8, vm1;
	[tilespmem:$0x100] =	vst v6;
	v6 =	vnsel vm2, $0x6200, v8  }
0x182: {  	[tilespmem:$0x150] =	vst v6;
	v6 =	vnsel vm0, $0x6200, v10  }
0x183: {  	[tilespmem:$0x170] =	vst v6  }
0x184: {  	[tilespmem:$0x140] =	vst v7;
	_ =	sdelay $0x1  }
0x185: {  	[tilespmem:$0x130] =	vst v5  }
0x186: {  	[tilespmem:s25], [sflag:$0x1] =	stream.indirect.gather [hbm4b:s5+s24], $0x40, s3, s24, $0xb8;
	[tilespmem:$0x1EE38] =	vst v63  }
0x187: {  	_ =	swait.ge [sflag:s4], $0x2000  }
0x188: {  	[sflag:s4] =	ssyncset.done $0x0  }
0x189: {  	[sflag:s4] =	ssyncadd.s32 $0xFFFFE000  }
0x18a: {  	[spmem:s1] =	stream.indirect.scatter.add.f32 [tilespmem:s29], [sflag:$0x3], $0x40, s11, s24, $0xb8;
	[tilespmem:$0x1EE38] =	vst v63  }
0x18b: {  	_ =	swait.ge [sflag:s22], $0x2000  }
0x18c: {  	[sflag:s22] =	ssyncset.done $0x0  }
0x18d: {  	[sflag:s22] =	ssyncadd.s32 $0xFFFFE000  }
0x18e: {  	[spmem:s2] =	stream.indirect.scatter.add.f32 [tilespmem:s0], [sflag:$0x3], $0x1, s11, s24, $0xb8;
	[tilespmem:$0x1EE38] =	vst v63  }
0x18f: {  	_ =	swait.ge [sflag:s22], $0x80  }
0x190: {  	[sflag:s22] =	ssyncset.done $0x0  }
0x191: {  	[sflag:s22] =	ssyncadd.s32 $0xFFFFFF80  }
0x192: {  	[tilespmem:s26], [sflag:$0x3] =	stream.linear.gather [hbm4b:s20+s3], $0x80, $0x38;
	[tilespmem:$0x1EE38] =	vst v63  }
0x193: {  	_ =	swait.ge [sflag:s22], $0x80  }
0x194: {  	[sflag:s22] =	ssyncset.done $0x0  }
0x195: {  	[sflag:s22] =	ssyncadd.s32 $0xFFFFFF80  }
0x196: {  	[tilespmem:s28], [sflag:$0x3] =	stream.linear.gather [hbm4b:s19+s3], $0x80, $0x38;
	[tilespmem:$0x1EE38] =	vst v63  }
0x197: {  	_ =	swait.ge [sflag:s22], $0x80  }
0x198: {  	[sflag:s22] =	ssyncset.done $0x0  }
0x199: {  	[sflag:s22] =	ssyncadd.s32 $0xFFFFFF80  }
0x19a: {  	v5 =	vld [tilespmem:$0x2270]  }
0x19b: {  	v6 =	vld [tilespmem:$0x2260]  }
0x19c: {  	v7 =	vld [tilespmem:$0x2240]  }
0x19d: {  	v8 =	vld [tilespmem:$0x2220]  }
0x19e: {  	v9 =	vld [tilespmem:$0x2250]  }
0x19f: {  	v10 =	vld [tilespmem:$0x2200];
	vm0 =	vge.s32 v5, v1;
	vm1 =	vlt.s32 v5, v2  }
0x1a0: {  	v11 =	vld [tilespmem:$0x2230];
	vm2 =	vge.s32 v6, v1;
	vm3 =	vlt.s32 v6, v2;
	v6 =	vsub.s32 v6, v1  }
0x1a1: {  	vm0 =	vmand vm0, vm1;
	v12 =	vld [tilespmem:$0x2210];
	v13 =	vsub.s32 v7, v1;
	vm2 =	vmand vm2, vm3  }
0x1a2: {  	v5 =	vsub.s32 v5, v1;
	vm1 =	vge.s32 v7, v1;
	v6 =	vnsel vm2, $0x6200, v6  }
0x1a3: {  	v5 =	vnsel vm0, $0x6200, v5;
	vm2 =	vlt.s32 v7, v2;
	vm3 =	vge.s32 v9, v1;
	[tilespmem:$0x22E0] =	vst v6  }
0x1a4: {  	vm0 =	vge.s32 v8, v1;
	vm4 =	vlt.s32 v8, v2;
	v6 =	vsub.s32 v10, v1;
	[tilespmem:$0x22F0] =	vst v5  }
0x1a5: {  	vm1 =	vmand vm1, vm2;
	v5 =	vsub.s32 v8, v1;
	vm5 =	vlt.s32 v11, v2  }
0x1a6: {  	vm0 =	vmand vm0, vm4;
	v7 =	vsub.s32 v9, v1;
	vm2 =	vge.s32 v11, v1  }
0x1a7: {  	v8 =	vsub.s32 v11, v1;
	v11 =	vnsel vm1, $0x6200, v13;
	vm2 =	vmand vm2, vm5  }
0x1a8: {  	vm1 =	vlt.s32 v9, v2;
	v13 =	vsub.s32 v12, v1;
	v8 =	vnsel vm2, $0x6200, v8  }
0x1a9: {  	vm4 =	vlt.s32 v12, v2;
	vm1 =	vmand vm3, vm1;
	vm2 =	vge.s32 v10, v1;
	[tilespmem:$0x22B0] =	vst v8  }
0x1aa: {  	vm3 =	vlt.s32 v10, v2;
	vm5 =	vge.s32 v12, v1;
	v7 =	vnsel vm1, $0x6200, v7;
	[tilespmem:$0x22C0] =	vst v11  }
0x1ab: {  	v5 =	vnsel vm0, $0x6200, v5;
	vm1 =	vmand vm2, vm3;
	vm2 =	vmand vm5, vm4;
	[tilespmem:$0x22D0] =	vst v7  }
0x1ac: {  	v6 =	vnsel vm1, $0x6200, v6;
	v7 =	vnsel vm2, $0x6200, v13;
	[tilespmem:$0x22A0] =	vst v5  }
0x1ad: {  	[tilespmem:$0x2280] =	vst v6  }
0x1ae: {  	[tilespmem:$0x2290] =	vst v7  }
0x1af: {  	[tilespmem:s29], [sflag:$0x2] =	stream.indirect.gather [hbm4b:s5+s24], $0x40, s26, s24, $0xb8;
	[tilespmem:$0x1EE38] =	vst v63  }
0x1b0: {  	_ =	swait.ge [sflag:s30], $0x2000  }
0x1b1: {  	[sflag:s30] =	ssyncset.done $0x0  }
0x1b2: {  	[sflag:s30] =	ssyncadd.s32 $0xFFFFE000  }
0x1b3: {  	[spmem:s1] =	stream.indirect.scatter.add.f32 [tilespmem:s25], [sflag:$0x3], $0x40, s31, s24, $0xb8;
	[tilespmem:$0x1EE38] =	vst v63  }
0x1b4: {  	_ =	swait.ge [sflag:s22], $0x2000  }
0x1b5: {  	p1 =	slt.s32 s8, $0x30B;
	[sflag:s22] =	ssyncset.done $0x0  }
0x1b6: {  	s8 =	simm.s32 @!p1 $0x30B;
	[sflag:s22] =	ssyncadd.s32 $0xFFFFE000  }
0x1b7: {  	[spmem:s2] =	stream.indirect.scatter.add.f32 [tilespmem:s0], [sflag:$0x3], $0x1, s31, s24, $0xb8;
	[tilespmem:$0x1EE38] =	vst v63  }
0x1b8: {  	s8 =	sshll.u32 s8, $0x7;
	_ =	swait.ge [sflag:s22], $0x80  }
0x1b9: {  	s8 =	sadd.s32 s8, s10;
	[sflag:s22] =	ssyncset.done $0x0  }
0x1ba: {  	s8 =	sshrl.u32 s8, $0x3;
	[sflag:s22] =	ssyncadd.s32 $0xFFFFFF80  }
0x1bb: {  	s9 =	sadd.s32 s6, s8  }
0x1bc: {  	[tilespmem:s3], [sflag:$0x3] =	stream.linear.gather [hbm4b:s9+s3], $0x80, $0x38;
	[tilespmem:$0x1EE38] =	vst v63  }
0x1bd: {  	_ =	swait.ge [sflag:s22], $0x80  }
0x1be: {  	[sflag:s22] =	ssyncset.done $0x0  }
0x1bf: {  	s8 =	sadd.s32 s7, s8;
	[sflag:s22] =	ssyncadd.s32 $0xFFFFFF80  }
0x1c0: {  	[tilespmem:s24], [sflag:$0x3] =	stream.linear.gather [hbm4b:s8+s3], $0x80, $0x38;
	[tilespmem:$0x1EE38] =	vst v63  }
0x1c1: {  	_ =	swait.ge [sflag:s22], $0x80  }
0x1c2: {  	[sflag:s22] =	ssyncset.done $0x0  }
0x1c3: {  	[sflag:s22] =	ssyncadd.s32 $0xFFFFFF80  }
0x1c4: {  	v5 =	vld [tilespmem:$0xB0]  }
0x1c5: {  	v9 =	vld [tilespmem:$0x90]  }
.Ltmp4:
0x1c6: {  	v10 =	vld [tilespmem:$0xA0];
	(pc) =	sbr.rel @p0 .LBB2_10-.Ltmp4, $4  }
0x1c7: {  	v8 =	vld [tilespmem:$0x80]  }
0x1c8: {  	v7 =	vld [tilespmem:$0xC0]  }
0x1c9: {  	vm0 =	vge.s32 v5, v1;
	vm1 =	vlt.s32 v5, v2;
	v5 =	vsub.s32 v5, v1;
	v6 =	vld [tilespmem:$0xD0]  }
0x1ca: {  	vm2 =	vge.s32 v9, v1;
	vm3 =	vlt.s32 v9, v2;
	v11 =	vsub.s32 v9, v1;
	v9 =	vld [tilespmem:$0xE0]  }
0x1cb: {  	vm4 =	vge.s32 v10, v1;
	vm5 =	vlt.s32 v10, v2;
	v60 =	vsub.s32 v10, v1  }
0x1cc: {  	vm2 =	vmand vm2, vm3;
	vm0 =	vmand vm0, vm1;
	v13 =	vsub.s32 v8, v1  }
0x1cd: {  	vm13 =	vmand vm4, vm5;
	vm14 =	vge.s32 v8, v1;
	v11 =	vnsel vm2, $0x6200, v11  }
0x1ce: {  	v12 =	vld [tilespmem:$0xF0];
	vm15 =	vlt.s32 v8, v2;
	v5 =	vnsel vm0, $0x6200, v5;
	v10 =	vnsel vm13, $0x6200, v60  }
0x1cf: {  	vm2 =	vge.s32 v7, v1;
	vm3 =	vlt.s32 v7, v2;
	vm4 =	vmand vm14, vm15  }
0x1d0: {  	[tilespmem:$0x110] =	vst v11;
	v7 =	vsub.s32 v7, v1;
	v61 =	vsub.s32 v6, v1;
	vm11 =	vge.s32 v6, v1  }
0x1d1: {  	[tilespmem:$0x130] =	vst v5;
	vm12 =	vlt.s32 v6, v2;
	v6 =	vnsel vm4, $0x6200, v13;
	vm2 =	vmand vm2, vm3  }
0x1d2: {  	[tilespmem:$0x120] =	vst v10;
	vm6 =	vge.s32 v9, v1;
	vm7 =	vlt.s32 v9, v2;
	v62 =	vsub.s32 v9, v1  }
0x1d3: {  	vm14 =	vmand vm11, vm12;
	[tilespmem:$0x100] =	vst v6;
	v7 =	vnsel vm2, $0x6200, v7;
	vm8 =	vge.s32 v12, v1  }
0x1d4: {  	vm6 =	vmand vm6, vm7;
	vm13 =	vlt.s32 v12, v2;
	v6 =	vnsel vm14, $0x6200, v61;
	[tilespmem:$0x140] =	vst v7  }
0x1d5: {  	v63 =	vsub.s32 v12, v1;
	v9 =	vnsel vm6, $0x6200, v62;
	vm15 =	vmand vm8, vm13;
	[tilespmem:$0x150] =	vst v6  }
0x1d6: {  	[tilespmem:$0x160] =	vst v9;
	v6 =	vnsel vm15, $0x6200, v63  }
0x1d7: {  	[tilespmem:$0x170] =	vst v6  }
0x1d8: {  	[tilespmem:s25], [sflag:$0x1] =	stream.indirect.gather [hbm4b:s5+s24], $0x40, s3, s24, $0xb8;
	[tilespmem:$0x1EE38] =	vst v63  }
0x1d9: {  	_ =	swait.ge [sflag:s4], $0x2000  }
0x1da: {  	[sflag:s4] =	ssyncset.done $0x0  }
0x1db: {  	[sflag:s4] =	ssyncadd.s32 $0xFFFFE000  }
0x1dc: {  	[spmem:s1] =	stream.indirect.scatter.add.f32 [tilespmem:s29], [sflag:$0x3], $0x40, s11, s24, $0xb8;
	[tilespmem:$0x1EE38] =	vst v63  }
0x1dd: {  	_ =	swait.ge [sflag:s22], $0x2000  }
0x1de: {  	[sflag:s22] =	ssyncset.done $0x0  }
0x1df: {  	[sflag:s22] =	ssyncadd.s32 $0xFFFFE000  }
0x1e0: {  	[spmem:s2] =	stream.indirect.scatter.add.f32 [tilespmem:s0], [sflag:$0x3], $0x1, s11, s24, $0xb8;
	[tilespmem:$0x1EE38] =	vst v63  }
0x1e1: {  	_ =	swait.ge [sflag:s22], $0x80  }
0x1e2: {  	[sflag:s22] =	ssyncset.done $0x0  }
0x1e3: {  	[sflag:s22] =	ssyncadd.s32 $0xFFFFFF80  }
0x1e4: {  	_ =	swait.ge [sflag:s30], $0x2000  }
0x1e5: {  	[sflag:s30] =	ssyncset.done $0x0  }
0x1e6: {  	[sflag:s30] =	ssyncadd.s32 $0xFFFFE000  }
0x1e7: {  	[bflag:$0x0] =	sbarrier.arrive $0xFFFF  }
0x1e8: {  	s8 =	rddreg [dreg:$0x9]  }
0x1e9: {  	[hbm:s8], [sflag:s14] =	dma.local [spmem:s15], $0x3100  }
0x1ea: {  	_ =	swait.ge [sflag:s22], $0x3100  }
0x1eb: {  	[sflag:s22] =	ssyncset.done $0x0  }
0x1ec: {  	s19 =	rddreg [dreg:$0xa];
	[sflag:s22] =	ssyncadd.s32 $0xFFFFCF00  }
0x1ed: {  	[hbm:s19], [sflag:s14] =	dma.local [spmem:s16], $0xC4  }
0x1ee: {  	_ =	swait.ge [sflag:s22], $0xC4  }
0x1ef: {  	s13 =	sadd.s32 $0x1, s13;
	s20 =	rddreg [dreg:$0xb]  }
0x1f0: {  	p0 =	sne.s32 s13, s20  }
.Ltmp5:
0x1f1: {  	_ = 	snop;
	(pc) =	sbr.rel @p0 .LBB2_1-.Ltmp5, $4  }
0x1f2: {  	[sflag:s22] =	ssyncset.done $0x0  }
0x1f3: {  	[sflag:s22] =	ssyncadd.s32 $0xFFFFFF3C  }
0x1f4: {  	[bflag:$0x0] =	sbarrier.arrive $0xFFFF  }
0x1f5: {  	s20 =	rddreg [dreg:$0x4]  }
0x1f6: {  	_ =	sfence.sel $0x180000  }
0x1f7: {  	[bflag:$0x0] =	sbarrier.arrive $0xFFFF  }
0x1f8: {  	_ =	strace $0x90000047  }
0x1f9: {  	s0 =	stileid.u32;
	[bflag:$0x2] =	sbarrier.arrive $0xFFFF  }
0x1fa: {  	p0 =	sne.s32 s0, $0x0;
	s0 =	rddreg [dreg:$0x3]  }
0x1fb: {  	s0 =	sadd.s32 @!p0 $0x100000, s0  }
0x1fc: {  	[sflag:s0] =	ssyncadd.tile.s32 @!p0 $0x1;
	_ =	shalt  }
.Lfunc_end2:
_tile_overlayer_lowered:
.L_overlay_start_2:
0x1fd: {  	(tag) =	ssettag $0x2  }
0x1fe: {  	s0 =	rddreg [dreg:$0x0];
	s2 =	stileid.u32  }
0x1ff: {  	s1 =	rddreg [dreg:$0x1];
	p0 =	sne.s32 s2, $0x0  }
0x200: {  	s3 =	rddreg [dreg:$0x2];
	[bflag:$0x3] =	sbarrier.arrive $0xFFFF;
	s2 =	simm.s32 @!p0 $0x1C03  }
0x201: {  	[timem:s3], [sflag:s2] =	dma.local @!p0 [hbm:s0], s1  }
0x202: {  	s0 =	simm.s32 @!p0 $0x3  }
0x203: {  	_ =	swait.ge @!p0 [sflag:s0], s1  }
0x204: {  	s1 =	ssub.s32 @!p0 $0x0, s1;
	[sflag:s0] =	ssyncset.done @!p0 $0x0  }
0x205: {  	[sflag:s0] =	ssyncadd.s32 @!p0 s1  }
0x206: {  	[bflag:$0x3] =	sbarrier.arrive $0xFFFF  }
0x207: {  	_ =	shalt  }

// kernel: kernel.9.cloned.1.call-start
scs
__scs_entry_jumppad:
0x0: {  	(pc) =	sbr.rel $0x88, $3  }
0x1: {  	(tag) =	ssettag $0x0;
	lr =	simm.s32 $0x1  }
0x2: {  	[smem:$0x3F9B] =	sst lr;
	_ =	strace $0xD0000000  }
0x3: {  	_ = 	snop  }
0x4: {  	_ = 	snop  }
0x5: {  	_ = 	snop  }
0x6: {  	_ = 	snop  }
0x7: {  	_ = 	snop  }
__scs_overlays_trampoline_lowered:
0x8: {  	[smem:$0x3FAA] =	sst s0  }
0x9: {  	[smem:$0x3FAB] =	sst s1  }
0xa: {  	[smem:$0x3FAC] =	sst s2  }
0xb: {  	[smem:$0x3FAD] =	sst s3  }
0xc: {  	[smem:$0x3FAE] =	sst s4  }
0xd: {  	[smem:$0x3FAF] =	sst s5  }
0xe: {  	[smem:$0x3FB0] =	sst s6  }
0xf: {  	[smem:$0x3FB1] =	sst s7  }
0x10: {  	[smem:$0x3FB2] =	sst s8  }
0x11: {  	[smem:$0x3FB3] =	sst s9;
	s0 =	simm.s32 @!p0 $0x0  }
0x12: {  	s1 =	sld [smem:$0x3F99];
	s0 =	simm.s32 @p0 $0x1  }
0x13: {  	[smem:$0x3FB4] =	sst s0;
	s0 =	simm.s32 @!p1 $0x0  }
0x14: {  	s2 =	sld [smem:$0x3F98];
	s0 =	simm.s32 @p1 $0x1  }
0x15: {  	[smem:$0x3FB5] =	sst s0;
	s0 =	simm.s32 @!p2 $0x0  }
0x16: {  	s3 =	sld [smem:$0x3FDB];
	s0 =	simm.s32 @p2 $0x1  }
0x17: {  	s4 =	simm.s32 $0x1BF5;
	[smem:$0x3FB7] =	sst s0  }
0x18: {  	s0 =	sld [smem:$0x3F9A];
	_ =	swait.ge [sflag:s4], $0x0  }
0x19: {  	s7 =	sld [smem:$0x3F9B]  }
0x1a: {  	s8 =	sadd.s32 $0xFFFFE003, lr  }
0x1b: {  	s9 =	sadd.s32 $0xFFFFFEF7, lr;
	s5 =	simm.s32 $0xFFFFFFFF;
	p2 =	slt.u32 s8, $0xFFFFF086  }
0x1c: {  	p1 =	slt.u32 s9, $0xF7A;
	s5 =	simm.s32 @!p2 $0x0  }
0x1d: {  	s5 =	simm.s32 @p1 $0x1;
	p0 =	seq.s32 s7, s2  }
0x1e: {  	s7 =	smul.u32 @!p0 $0xF7A, s2;
	p2 =	seq.s32 @!p0 s5, $0x0  }
0x1f: {  	s9 =	smul.u32 $0xF7A, s1;
	s8 =	simm.s32 @!p0 $0x1BF5;
	p2 =	por !p2, p0  }
0x20: {  	[sflag:s8] =	ssyncset.s32 @!p0 $0xFFFFF086;
	s6 =	sadd.s32 @!p0 s3, s7;
	s7 =	simm.s32 @!p0 $0x108  }
0x21: {  	s3 =	sadd.s32 s3, s9;
	s6 =	sadd.s32 @!p0 $0x88, s6;
	s7 =	simm.s32 @p2 $0x1082  }
0x22: {  	[simem:s7], [sflag:s8] =	dma.local @!p0 [hbm:s6], $0xF7A  }
0x23: {  	s9 =	sor.u32 $0xD0000000, s2;
	s6 =	simm.s32 $0x108;
	_ =	swait.ge @!p0 [sflag:s8], $0x0  }
0x24: {  	s3 =	sadd.s32 $0x88, s3;
	s6 =	simm.s32 @!p1 $0x1082;
	[sflag:s4] =	ssyncset.s32 $0xFFFFF086  }
0x25: {  	[simem:s6], [sflag:s4] =	dma.local [hbm:s3], $0xF7A  }
0x26: {  	[smem:$0x3F9B] =	sst s1;
	(tag) =	ssettag s2;
	_ =	strace s9  }
0x27: {  	s1 =	sld [smem:$0x3FAB]  }
0x28: {  	s2 =	sld [smem:$0x3FAC]  }
0x29: {  	s4 =	sld [smem:$0x3FAE]  }
0x2a: {  	p0 =	seq.s32 s5, $0x0;
	s5 =	sld [smem:$0x3FAF]  }
0x2b: {  	s6 =	sld [smem:$0x3FB0]  }
0x2c: {  	s7 =	sld [smem:$0x3FB1]  }
0x2d: {  	s3 =	simm.s32 $0x108;
	s8 =	sld [smem:$0x3FB2]  }
0x2e: {  	s3 =	simm.s32 @!p0 $0x1082;
	s9 =	sld [smem:$0x3FB3]  }
0x2f: {  	lr =	sadd.s32 s0, s3;
	s0 =	sld [smem:$0x3FAA]  }
0x30: {  	s3 =	sld [smem:$0x3FAD]  }
0x31: {  	[smem:$0x3FB6] =	sst s10  }
0x32: {  	s10 =	sld [smem:$0x3FB4];
	_ =	sdelay $0x3  }
0x33: {  	p0 =	seq.s32 s10, $0x1;
	s10 =	sld [smem:$0x3FB6];
	_ =	sdelay $0x3  }
0x34: {  	[smem:$0x3FB6] =	sst s10  }
0x35: {  	s10 =	sld [smem:$0x3FB5];
	_ =	sdelay $0x3  }
0x36: {  	p1 =	seq.s32 s10, $0x1;
	s10 =	sld [smem:$0x3FB6];
	_ =	sdelay $0x3  }
0x37: {  	[smem:$0x3FB6] =	sst s10  }
0x38: {  	s10 =	sld [smem:$0x3FB7]  }
0x39: {  	_ = 	snop;
	(pc) =	sbr.ind lr, $3  }
0x3a: {  	_ = 	snop  }
0x3b: {  	_ = 	snop  }
0x3c: {  	p2 =	seq.s32 s10, $0x1;
	s10 =	sld [smem:$0x3FB6]  }
0x3d: {  	_ =	shalt  }
0x3e: {  	_ =	shalt  }
0x3f: {  	_ =	shalt  }
0x40: {  	_ =	shalt  }
0x41: {  	_ =	shalt  }
0x42: {  	_ =	shalt  }
0x43: {  	_ =	shalt  }
0x44: {  	_ =	shalt  }
0x45: {  	_ =	shalt  }
0x46: {  	_ =	shalt  }
0x47: {  	_ =	shalt  }
0x48: {  	_ =	shalt  }
0x49: {  	_ =	shalt  }
0x4a: {  	_ =	shalt  }
0x4b: {  	_ =	shalt  }
0x4c: {  	_ =	shalt  }
0x4d: {  	_ =	shalt  }
0x4e: {  	_ =	shalt  }
0x4f: {  	_ =	shalt  }
0x50: {  	_ =	shalt  }
0x51: {  	_ =	shalt  }
0x52: {  	_ =	shalt  }
0x53: {  	_ =	shalt  }
0x54: {  	_ =	shalt  }
0x55: {  	_ =	shalt  }
0x56: {  	_ =	shalt  }
0x57: {  	_ =	shalt  }
0x58: {  	_ =	shalt  }
0x59: {  	_ =	shalt  }
0x5a: {  	_ =	shalt  }
0x5b: {  	_ =	shalt  }
0x5c: {  	_ =	shalt  }
0x5d: {  	_ =	shalt  }
0x5e: {  	_ =	shalt  }
0x5f: {  	_ =	shalt  }
0x60: {  	_ =	shalt  }
0x61: {  	_ =	shalt  }
0x62: {  	_ =	shalt  }
0x63: {  	_ =	shalt  }
0x64: {  	_ =	shalt  }
0x65: {  	_ =	shalt  }
0x66: {  	_ =	shalt  }
0x67: {  	_ =	shalt  }
0x68: {  	_ =	shalt  }
0x69: {  	_ =	shalt  }
0x6a: {  	_ =	shalt  }
0x6b: {  	_ =	shalt  }
0x6c: {  	_ =	shalt  }
0x6d: {  	_ =	shalt  }
0x6e: {  	_ =	shalt  }
0x6f: {  	_ =	shalt  }
0x70: {  	_ =	shalt  }
0x71: {  	_ =	shalt  }
0x72: {  	_ =	shalt  }
0x73: {  	_ =	shalt  }
0x74: {  	_ =	shalt  }
0x75: {  	_ =	shalt  }
0x76: {  	_ =	shalt  }
0x77: {  	_ =	shalt  }
0x78: {  	_ =	shalt  }
0x79: {  	_ =	shalt  }
0x7a: {  	_ =	shalt  }
0x7b: {  	_ =	shalt  }
0x7c: {  	_ =	shalt  }
0x7d: {  	_ =	shalt  }
0x7e: {  	_ =	shalt  }
0x7f: {  	_ =	shalt  }
0x80: {  	_ =	shalt  }
0x81: {  	_ =	shalt  }
0x82: {  	_ =	shalt  }
0x83: {  	_ =	shalt  }
0x84: {  	_ =	shalt  }
0x85: {  	_ =	shalt  }
0x86: {  	_ =	shalt  }
0x87: {  	_ =	shalt  }
.Lfunc_end0:
.L_simem_size_0:
called_computation.1_lowered:
.L_overlay_start_0:
0x88: {  	s2 =	sld [smem:$0x3FD9]  }
0x89: {  	s3 =	sld [smem:$0x3FFE];
	_ =	sdelay $0x1  }
0x8a: {  	s1 =	srdreg.scid  }
0x8b: {  	s0 =	sand.u32 $0x1, s1  }
0x8c: {  	s16 =	sshll.u32 s0, $0xA;
	s2 =	sadd.s32 s3, s2  }
0x8d: {  	s2 =	sadd.s32 s2, s16  }
0x8e: {  	[smem:$0x3FC2] =	sst s2  }
0x8f: {  	_ = 	snop  }
0x90: {  	(tm) =	ssettm $0x1  }
0x91: {  	s17 =	sld [smem:$0x3FFB];
	_ =	sdelay $0x3  }
0x92: {  	_ =	strace s17  }
0x93: {  	s2 =	sld [smem:$0x3FFC];
	_ =	sdelay $0x3  }
0x94: {  	_ =	strace s2  }
0x95: {  	s2 =	sld [smem:$0x3FFD];
	_ =	sdelay $0x3  }
0x96: {  	_ =	strace s2  }
0x97: {  	_ =	strace $0x8FFFFFFF  }
0x98: {  	s18 =	sld [smem:$0x3FDB];
	_ =	sdelay $0x1  }
0x99: {  	s19 =	simm.s32 $_scs_section_size  }
0x9a: {  	s4 =	simm.s32 $_size__tile_overlayer_lowered;
	s5 =	simm.s32 $_tile_overlayer_lowered  }
0x9b: {  	s22 =	simm.s32 $0x1BFF;
	s21 =	sshll.u32 s5, $0x1;
	s2 =	sadd.s32 s19, s18  }
0x9c: {  	s6 =	simm.s32 $0x0;
	s20 =	sshll.u32 s4, $0x1;
	s4 =	sadd.s32 s21, s2  }
0x9d: {  	[timem:s6], [sflag:s22] =	dma.local [hbm:s4], s20  }
0x9e: {  	_ =	swait.ge [sflag:s22], s20  }
0x9f: {  	s3 =	ssub.s32 $0x0, s20;
	[sflag:s22] =	ssyncset.done $0x0  }
0xa0: {  	[sflag:s22] =	ssyncadd.s32 s3;
	_ =	sdelay $0x1  }
0xa1: {  	s23 =	simm.s32 $0x1B8B  }
0xa2: {  	_ =	swait.ge [sflag:s23], $0x1  }
0xa3: {  	[sflag:s23] =	ssyncset.done $0x0  }
0xa4: {  	s25 =	simm.s32 $0x1B8E;
	s24 =	sld [smem:$0x3FFE];
	[sflag:s23] =	ssyncadd.s32 $0xFFFFFFFF  }
0xa5: {  	s26 =	simm.s32 $execute0_lowered;
	[smem:$0x3FD2] =	sst s25  }
0xa6: {  	s4 =	sshll.u32 s26, $0x1;
	_ =	strace $0x80000049;
	[dreg:$0x1] =	wrdreg $0xFFFFFFFF  }
0xa7: {  	s28 =	simm.s32 $_size_execute0_lowered;
	s2 =	sadd.s32 s2, s4;
	[dreg:$0x0] =	wrdreg $0x0  }
0xa8: {  	s4 =	sshll.u32 s28, $0x1;
	[dreg:$0x2] =	wrdreg s2  }
0xa9: {  	[dreg:$0x3] =	wrdreg s4  }
0xaa: {  	[dreg:$0x4] =	wrdreg $0xC0  }
0xab: {  	_ =	task [dreg:s6], $0x5FFFF  }
0xac: {  	[dreg:$0x1] =	wrdreg $0xFFFFFFFF  }
0xad: {  	[dreg:$0x0] =	wrdreg $0x60  }
0xae: {  	[dreg:$0x2] =	wrdreg s24  }
0xaf: {  	[dreg:$0x3] =	wrdreg $0x9  }
0xb0: {  	_ =	task.clear_ibuf [dreg:s6], $0x4FFFF;
	_ =	strace $0x90000049  }
0xb1: {  	s29 =	simm.s32 $0x9;
	_ =	strace $0x8000004B  }
0xb2: {  	_ =	swait.ge [sflag:s29], $0x1  }
0xb3: {  	[sflag:s29] =	ssyncadd.s32 $0xFFFFFFFF  }
0xb4: {  	_ =	strace $0x9000004B  }
0xb5: {  	_ =	sfence  }
0xb6: {  	s30 =	sld [smem:$0x0];
	_ =	sdelay $0x2  }
0xb7: {  	s31 =	sshll.u32 s1, $0xD;
	s1 =	sshrl.u32 s1, $0x2  }
0xb8: {  	s3 =	sand.u32 $0x4000, s31;
	s1 =	sadd.s32 s1, s30  }
0xb9: {  	s0 =	sor.u32 s3, s0;
	s1 =	sshll.u32 s1, $0x11  }
0xba: {  	s0 =	sor.u32 s1, s0  }
0xbb: {  	s0 =	sadd.s32 $0x8F2B, s0  }
0xbc: {  	[sflag:s0] =	ssyncadd.remote.s32 $0x1  }
0xbd: {  	_ =	sfence.sel $0xFFFF  }
0xbe: {  	[dreg:$0x0] =	wrdreg $0xFFFFFFFF;
	(pc) =	sbr.abs _section_cstart, $3  }
0xbf: {  	[dreg:$0x1] =	wrdreg $0xFFFFFFFF  }
0xc0: {  	_ =	task.clear_ibuf [dreg:s6], $0x2FFFF;
	_ =	strace $0x9FFFFFFF  }
0xc1: {  	(tm) =	ssettm $0x7FFFFFFF  }
tec
execute0_lowered:
.L_overlay_start_1:
0x0: {  	(tag) =	ssettag $0x1  }
0x1: {  	s4 =	rddreg [dreg:$0x0]  }
0x2: {  	s0 =	rddreg [dreg:$0x1];
	s2 =	simm.s32 $0x0;
	s1 =	stileid.u32  }
0x3: {  	s3 =	srdreg.scid;
	s10 =	simm.s32 $0x0;
	s6 =	smul.u32 $0xC00, s1  }
0x4: {  	[smem:$0x7FF] =	sst s2;
	s5 =	sand.u32 $0x1, s3;
	s8 =	smul.u32 $0x6000, s1  }
0x5: {  	s3 =	sadd.s32 $0x3200, s4;
	s7 =	smul.u32 $0x600, s5;
	s9 =	ssub.s32 $0x2, s5  }
0x6: {  	_ =	strace $0x8000004A;
	s5 =	smul.u32 $0x3000, s5;
	s31 =	sshrl.u32 s9, $0x1  }
0x7: {  	s8 =	sadd.s32 s8, s4;
	s6 =	sadd.s32 s7, s6;
	s7 =	ssub.s32 s9, s31  }
0x8: {  	s5 =	sadd.s32 s5, s8;
	s8 =	simm.s32 $0x80;
	s6 =	sshrl.u32 s6, $0x3  }
0x9: {  	s9 =	simm.s32 $0x1;
	s5 =	sadd.s32 $0xC7200, s5;
	s6 =	sadd.s32 s6, s4  }
0xa: {  	s4 =	smax.u32 s7, $0x1;
	s7 =	simm.s32 $0x2;
	s6 =	sadd.s32 $0x1A00, s6  }
.LBB2_1:
0xb: {  	s11 =	sadd.s32 $0x0, s6  }
0xc: {  	[tilespmem:s2], [sflag:$0x2] =	stream.linear.gather [hbm4b:s11+s2], $0x80, $0x38;
	[tilespmem:$0x2080] =	vst v63  }
0xd: {  	_ =	swait.ge [sflag:s7], $0x80  }
0xe: {  	[sflag:s7] =	ssyncset.done $0x0  }
0xf: {  	[sflag:s7] =	ssyncadd.s32 $0xFFFFFF80  }
0x10: {  	[tilespmem:s8], [sflag:$0x1] =	stream.indirect.gather [hbm4b:s3+s8], $0x40, s2, s8, $0xb8;
	[tilespmem:$0x2080] =	vst v63  }
0x11: {  	_ =	swait.ge [sflag:s9], $0x2000  }
0x12: {  	[sflag:s9] =	ssyncset.done $0x0  }
0x13: {  	[sflag:s9] =	ssyncadd.s32 $0xFFFFE000  }
0x14: {  	[hbm4b:s5+s2] =	stream.linear.scatter [tilespmem:s8], [sflag:$0x2], $0x2000, $0x38;
	[tilespmem:$0x2080] =	vst v63  }
0x15: {  	s12 =	simm.s32 $0x10;
	_ =	swait.ge [sflag:s7], $0x2000  }
0x16: {  	s13 =	simm.s32 $0x20;
	s11 =	sadd.s32 $0x400, s5;
	[sflag:s7] =	ssyncset.done $0x0  }
.LBB2_2:
0x17: {  	s14 =	sadd.s32 s12, s6  }
0x18: {  	[sflag:s7] =	ssyncadd.s32 $0xFFFFE000;
	s12 =	smov.u32 s13;
	s15 =	sadd.s32 $0x10, s13  }
0x19: {  	[tilespmem:s2], [sflag:$0x2] =	stream.linear.gather [hbm4b:s14+s2], $0x80, $0x38;
	[tilespmem:$0x2080] =	vst v63  }
0x1a: {  	p0 =	sne.s32 s13, $0xB0;
	_ =	swait.ge [sflag:s7], $0x80  }
0x1b: {  	[sflag:s7] =	ssyncset.done $0x0  }
0x1c: {  	[sflag:s7] =	ssyncadd.s32 $0xFFFFFF80  }
0x1d: {  	[tilespmem:s8], [sflag:$0x1] =	stream.indirect.gather [hbm4b:s3+s8], $0x40, s2, s8, $0xb8;
	[tilespmem:$0x2080] =	vst v63  }
0x1e: {  	_ =	swait.ge [sflag:s9], $0x2000  }
.Ltmp0:
0x1f: {  	[sflag:s9] =	ssyncset.done $0x0;
	(pc) =	sbr.rel @p0 .LBB2_2-.Ltmp0, $4  }
0x20: {  	[sflag:s9] =	ssyncadd.s32 $0xFFFFE000  }
0x21: {  	[hbm4b:s11+s2] =	stream.linear.scatter [tilespmem:s8], [sflag:$0x2], $0x2000, $0x38;
	[tilespmem:$0x2080] =	vst v63  }
0x22: {  	_ =	swait.ge [sflag:s7], $0x2000  }
0x23: {  	s13 =	smov.u32 s15;
	s11 =	sadd.s32 $0x400, s11;
	[sflag:s7] =	ssyncset.done $0x0  }
0x24: {  	s12 =	sadd.s32 s12, s6;
	[sflag:s7] =	ssyncadd.s32 $0xFFFFE000  }
0x25: {  	[tilespmem:s2], [sflag:$0x2] =	stream.linear.gather [hbm4b:s12+s2], $0x80, $0x38;
	[tilespmem:$0x2080] =	vst v63  }
0x26: {  	_ =	swait.ge [sflag:s7], $0x80  }
0x27: {  	[sflag:s7] =	ssyncset.done $0x0  }
0x28: {  	[sflag:s7] =	ssyncadd.s32 $0xFFFFFF80  }
0x29: {  	[tilespmem:s8], [sflag:$0x1] =	stream.indirect.gather [hbm4b:s3+s8], $0x40, s2, s8, $0xb8;
	[tilespmem:$0x2080] =	vst v63  }
0x2a: {  	s10 =	sadd.s32 $0x1, s10;
	_ =	swait.ge [sflag:s9], $0x2000  }
0x2b: {  	p0 =	sne.s32 s10, s4;
	[sflag:s9] =	ssyncset.done $0x0  }
.Ltmp1:
0x2c: {  	[sflag:s9] =	ssyncadd.s32 $0xFFFFE000;
	(pc) =	sbr.rel @p0 .LBB2_1-.Ltmp1, $4  }
0x2d: {  	[hbm4b:s11+s2] =	stream.linear.scatter [tilespmem:s8], [sflag:$0x2], $0x2000, $0x38;
	[tilespmem:$0x2080] =	vst v63  }
0x2e: {  	_ =	swait.ge [sflag:s7], $0x2000  }
0x2f: {  	[sflag:s7] =	ssyncset.done $0x0  }
0x30: {  	[sflag:s7] =	ssyncadd.s32 $0xFFFFE000  }
0x31: {  	_ =	sfence.sel $0x180000  }
0x32: {  	[bflag:$0x0] =	sbarrier.arrive $0xFFFF  }
0x33: {  	p0 =	sne.s32 s1, $0x0;
	_ =	strace $0x9000004A  }
0x34: {  	s0 =	sadd.s32 @!p0 $0x100000, s0;
	[bflag:$0x2] =	sbarrier.arrive $0xFFFF  }
0x35: {  	[sflag:s0] =	ssyncadd.tile.s32 @!p0 $0x1;
	_ =	shalt  }
.Lfunc_end2:
_tile_overlayer_lowered:
.L_overlay_start_2:
0x36: {  	(tag) =	ssettag $0x2  }
0x37: {  	s0 =	rddreg [dreg:$0x0];
	s2 =	stileid.u32  }
0x38: {  	s1 =	rddreg [dreg:$0x1];
	p0 =	sne.s32 s2, $0x0  }
0x39: {  	s3 =	rddreg [dreg:$0x2];
	[bflag:$0x3] =	sbarrier.arrive $0xFFFF;
	s2 =	simm.s32 @!p0 $0x1C02  }
0x3a: {  	[timem:s3], [sflag:s2] =	dma.local @!p0 [hbm:s0], s1  }
0x3b: {  	s0 =	simm.s32 @!p0 $0x2  }
0x3c: {  	_ =	swait.ge @!p0 [sflag:s0], s1  }
0x3d: {  	s1 =	ssub.s32 @!p0 $0x0, s1;
	[sflag:s0] =	ssyncset.done @!p0 $0x0  }
0x3e: {  	[sflag:s0] =	ssyncadd.s32 @!p0 s1  }
0x3f: {  	[bflag:$0x3] =	sbarrier.arrive $0xFFFF  }
0x40: {  	_ =	shalt  }

</sc_bundles>
